<compile_context>
chip_gen: v7x
topology: tpu7x:2x2x1
jax: 0.10.2.dev20260603
libtpu: 0.0.44.dev20260713+nightly
codegen_flags: <defaults>
</compile_context>

<pallas_src>
import functools

import jax
import jax.numpy as jnp
from jax import lax
from jax.experimental import pallas as pl
from jax.experimental.pallas import tpu as pltpu
from jax.experimental.pallas import tpu_sc as plsc


def _leaky(h):
    return jnp.where(h > 0, h, 0.01 * h)


def _scores_body(x_ref, w1_ref, b1_ref, w2_ref, b2_ref, w3_ref, b3_ref, s_ref):
    nb = x_ref.shape[0]
    for i in range(nb):
        xb = x_ref[i]
        h1 = jnp.dot(w1_ref[...], xb, preferred_element_type=jnp.float32) + b1_ref[...]
        h1 = _leaky(h1)
        h2 = jnp.dot(w2_ref[...], h1, preferred_element_type=jnp.float32) + b2_ref[...]
        h2 = _leaky(h2)
        s = jnp.dot(w3_ref[...], h2, preferred_element_type=jnp.float32) + b3_ref[...]
        s_ref[i] = jnp.tanh(s)


_MASKED = -2.0


def _perm(v, idx):
    return lax.gather(
        v, idx[:, None],
        lax.GatherDimensionNumbers(offset_dims=(), collapsed_slice_dims=(0,),
                                   start_index_map=(0,)),
        slice_sizes=(1,), mode=lax.GatherScatterMode.PROMISE_IN_BOUNDS)


def _allmax(v, lanes):
    for sh in (8, 4, 2, 1):
        v = jnp.maximum(v, _perm(v, lanes ^ sh))
    return v


def _allmin(v, lanes):
    for sh in (8, 4, 2, 1):
        v = jnp.minimum(v, _perm(v, lanes ^ sh))
    return v


def _cmp_desc(av, ai, bv, bi):
    return jnp.logical_or(av > bv, jnp.logical_and(av == bv, ai < bi))


def _topk_sc_body(k, n, scores_hbm, out_hbm, s_v, idx_v, nb_v, nb_i,
                  sh_v, sh_i, sem):
    del sem
    core = lax.axis_index("c")
    sid = lax.axis_index("s")
    nh = n // 2
    row = core * 8 + sid // 2
    half = lax.rem(sid, 2)
    base = half * nh
    nv = nh // 16

    pltpu.sync_copy(scores_hbm.at[pl.ds(row * n + base, nh)], s_v)
    lanes = lax.iota(jnp.int32, 16)
    masked_v = jnp.full((16,), _MASKED, jnp.float32)

    def build(j, carry):
        m, jv = carry
        v = s_v[pl.ds(j * 16, 16)]
        better = v > m
        return jnp.where(better, v, m), jnp.where(better, j, jv)

    m, jv = lax.fori_loop(0, nv, build,
                          (masked_v, jnp.zeros((16,), jnp.int32)), unroll=8)

    def select(it, carry):
        m, jv, acc, vacc = carry
        top = _allmax(m, lanes)
        pos_vec = jv * 16 + lanes
        cand = jnp.where(m == top, pos_vec, jnp.int32(nh))
        posv = _allmin(cand, lanes)
        pos = posv[0]
        lane = lax.rem(pos, 16)
        jbase = pos - lane
        at_lane = lanes == lane
        v = s_v[pl.ds(jbase, 16)]
        s_v[pl.ds(jbase, 16)] = jnp.where(at_lane, masked_v, v)
        hit = lanes == lax.rem(it, 16)
        t = it // 16
        acc = tuple(
            jnp.where(jnp.logical_and(t == tt, hit), pos, acc[tt])
            for tt in range(k // 16))
        vacc = tuple(
            jnp.where(jnp.logical_and(t == tt, hit), top, vacc[tt])
            for tt in range(k // 16))
        best_v = masked_v
        gvs = []
        for g in range(nv // 16):
            gidx = (g * 16 + lanes) * 16 + lane
            gv = plsc.load_gather(s_v, [gidx])
            gvs.append(gv)
            best_v = jnp.maximum(best_v, gv)
        new_m = _allmax(best_v, lanes)
        best_j = jnp.full((16,), jnp.int32(nh), jnp.int32)
        for g in range(nv // 16):
            best_j = jnp.minimum(
                best_j,
                jnp.where(gvs[g] == new_m, g * 16 + lanes, jnp.int32(nh)))
        best_j = _allmin(best_j, lanes)
        m = jnp.where(at_lane, new_m, m)
        jv = jnp.where(at_lane, best_j, jv)
        return m, jv, acc, vacc

    acc0 = tuple(jnp.zeros((16,), jnp.int32) for _ in range(k // 16))
    vacc0 = tuple(jnp.full((16,), _MASKED, jnp.float32)
                  for _ in range(k // 16))
    _, _, acc, vacc = lax.fori_loop(0, k, select, (m, jv, acc0, vacc0))
    acc = tuple(a + base for a in acc)

    for tt in range(k // 16):
        idx_v[pl.ds(tt * 16, 16)] = acc[tt]
        nb_v[pl.ds(tt * 16, 16)] = vacc[tt]
    pltpu.sync_copy(idx_v, sh_i.at[pl.ds(sid * k, k)])
    pltpu.sync_copy(nb_v, sh_v.at[pl.ds(sid * k, k)])
    plsc.subcore_barrier()

    @pl.when(half == 0)
    def _():
        pltpu.sync_copy(sh_v.at[pl.ds((sid + 1) * k, k)], nb_v)
        pltpu.sync_copy(sh_i.at[pl.ds((sid + 1) * k, k)], nb_i)
        Av, Ai = list(vacc), list(acc)
        Bv = [nb_v[pl.ds(tt * 16, 16)] for tt in range(4)]
        Bi = [nb_i[pl.ds(tt * 16, 16)] for tt in range(4)]
        Lv, Li = [], []
        for tt in range(4):
            rbv = lax.rev(Bv[3 - tt], (0,))
            rbi = lax.rev(Bi[3 - tt], (0,))
            c = _cmp_desc(Av[tt], Ai[tt], rbv, rbi)
            Lv.append(jnp.where(c, Av[tt], rbv))
            Li.append(jnp.where(c, Ai[tt], rbi))
        for pairs in (((0, 2), (1, 3)), ((0, 1), (2, 3))):
            for (i, j) in pairs:
                c = _cmp_desc(Lv[i], Li[i], Lv[j], Li[j])
                hv = jnp.where(c, Lv[i], Lv[j])
                hi = jnp.where(c, Li[i], Li[j])
                lv = jnp.where(c, Lv[j], Lv[i])
                li = jnp.where(c, Li[j], Li[i])
                Lv[i], Li[i], Lv[j], Li[j] = hv, hi, lv, li
        for dd in (8, 4, 2, 1):
            for tt in range(4):
                pv = _perm(Lv[tt], lanes ^ dd)
                pi = _perm(Li[tt], lanes ^ dd)
                c = _cmp_desc(Lv[tt], Li[tt], pv, pi)
                takemax = (lanes & dd) == 0
                keep = jnp.logical_xor(c, jnp.logical_not(takemax))
                Lv[tt] = jnp.where(keep, Lv[tt], pv)
                Li[tt] = jnp.where(keep, Li[tt], pi)
        for tt in range(4):
            idx_v[pl.ds(tt * 16, 16)] = Li[tt]
        pltpu.sync_copy(idx_v, out_hbm.at[pl.ds(row * k, k)])


def kernel(x, K, W1, b1, W2, b2, W3, b3):
    B, C, N = x.shape
    k = W1.shape[0]
    NB = 2

    scores = pl.pallas_call(
        _scores_body,
        grid=(B // NB,),
        in_specs=[
            pl.BlockSpec((NB, C, N), lambda b: (b, 0, 0)),
            pl.BlockSpec(W1.shape, lambda b: (0, 0)),
            pl.BlockSpec((W1.shape[0], 1), lambda b: (0, 0)),
            pl.BlockSpec(W2.shape, lambda b: (0, 0)),
            pl.BlockSpec((W2.shape[0], 1), lambda b: (0, 0)),
            pl.BlockSpec(W3.shape, lambda b: (0, 0)),
            pl.BlockSpec((1, 1), lambda b: (0, 0)),
        ],
        out_specs=pl.BlockSpec((NB, 1, N), lambda b: (b, 0, 0)),
        out_shape=jax.ShapeDtypeStruct((B, 1, N), jnp.float32),
    )(x, W1, b1.reshape(-1, 1), W2, b2.reshape(-1, 1), W3, b3.reshape(1, 1))

    topk = functools.partial(
        pl.kernel,
        out_type=jax.ShapeDtypeStruct((B * k,), jnp.int32),
        mesh=plsc.VectorSubcoreMesh(core_axis_name="c", subcore_axis_name="s"),
        scratch_types=[
            pltpu.VMEM((N // 2,), jnp.float32),
            pltpu.VMEM((k,), jnp.int32),
            pltpu.VMEM((k,), jnp.float32),
            pltpu.VMEM((k,), jnp.int32),
            pltpu.VMEM_SHARED((16 * k,), jnp.float32),
            pltpu.VMEM_SHARED((16 * k,), jnp.int32),
            pltpu.SemaphoreType.DMA,
        ],
        compiler_params=pltpu.CompilerParams(needs_layout_passes=False),
    )(functools.partial(_topk_sc_body, k, N))
    idx = topk(scores.reshape(-1))

    return idx

# --- scband reference (transcript-rebuilt; emitter-appended) ---
"""Pipeline reference for scband-weighting-layer-71768903516644 (READ-ONLY COPY).

The authoritative reference and input builder live on the scoring server;
editing this copy changes nothing except your own understanding.
"""

import jax, jax.numpy as jnp
import numpy as np

def _leaky(x):
    return jnp.where(x > 0, x, 0.01 * x)

def _conv1x1(x, W, b):
    # x: [B, Cin, N], W: [Cout, Cin], b: [Cout]
    return jnp.einsum('oc,bcn->bon', W, x) + b[None, :, None]

def setup_inputs(seed: int = 0) -> dict:
    key = jax.random.key(seed)
    ks = jax.random.split(key, 7)
    x = jax.random.normal(ks[0], (16, 256, 4096), dtype=jnp.float32)
    W1 = jax.random.normal(ks[1], (64, 256), dtype=jnp.float32) * 0.05
    b1 = jax.random.normal(ks[2], (64,), dtype=jnp.float32) * 0.05
    W2 = jax.random.normal(ks[3], (16, 64), dtype=jnp.float32) * 0.05
    b2 = jax.random.normal(ks[4], (16,), dtype=jnp.float32) * 0.05
    W3 = jax.random.normal(ks[5], (1, 16), dtype=jnp.float32) * 0.05
    b3 = jax.random.normal(ks[6], (1,), dtype=jnp.float32) * 0.05
    return {"x": x, "K": 64, "W1": W1, "b1": b1, "W2": W2, "b2": b2, "W3": W3, "b3": b3}

def reference(x, K, W1, b1, W2, b2, W3, b3):
    h = _leaky(_conv1x1(x, W1, b1))
    h = _leaky(_conv1x1(h, W2, b2))
    s = jnp.tanh(_conv1x1(h, W3, b3))  # [B, 1, N]
    k_static = W1.shape[0]
    _, topk_indices = jax.lax.top_k(s, k_static)  # over last dim
    topk_indices = topk_indices + K * 0
    return topk_indices.reshape(-1)

if __name__ == "__main__":
    import jax
    _d = setup_inputs()
    print(jax.jit(kernel)(*tuple(_d.values())))

</pallas_src>

<mosaic_0001>
#map = affine_map<(d0, d1) -> (0)>
module attributes {stable_mosaic.version = 14 : i64} {
  func.func @_topk_sc_body(%arg0: i32, %arg1: i32, %arg2: memref<65536xf32, #tpu.memory_space<hbm>>, %arg3: memref<1024xi32, #tpu.memory_space<hbm>>, %arg4: memref<2048xf32, #tpu.memory_space<vmem>>, %arg5: memref<64xi32, #tpu.memory_space<vmem>>, %arg6: memref<64xf32, #tpu.memory_space<vmem>>, %arg7: memref<64xi32, #tpu.memory_space<vmem>>, %arg8: memref<1024xf32, #tpu.memory_space<vmem_shared>>, %arg9: memref<1024xi32, #tpu.memory_space<vmem_shared>>, %arg10: memref<!tpu.dma_semaphore, #tpu.memory_space<semaphore_mem>>) attributes {dimension_semantics = [#tpu.dimension_semantics<core_parallel>, #tpu.dimension_semantics<subcore_parallel>], iteration_bounds = array<i64: 2, 16>, scalar_prefetch = 0 : i64, scratch_operands = 7 : i64, tpu.core_type = #tpu.core_type<sc_vector_subcore>, window_params = [{transform_indices = #map}, {transform_indices = #map}]} {
    %mul3A = arith.constant 8 : i32
    %mul3A_0 = arith.muli %arg0, %mul3A : i32
    %jit3A = arith.constant 2 : i32
    %div3A = arith.divsi %arg1, %jit3A : i32
    %sign3A = arith.constant 0 : i32
    %sign3A_1 = arith.cmpi sgt, %arg1, %sign3A : i32
    %sign3A_2 = arith.extui %sign3A_1 : i1 to i32
    %sign3A_3 = arith.constant 0 : i32
    %sign3A_4 = arith.cmpi slt, %arg1, %sign3A_3 : i32
    %sign3A_5 = arith.extui %sign3A_4 : i1 to i32
    %sign3A_6 = arith.subi %sign3A_2, %sign3A_5 : i32
    %sign3A_7 = arith.constant 0 : i32
    %sign3A_8 = arith.cmpi sgt, %jit3A, %sign3A_7 : i32
    %sign3A_9 = arith.extui %sign3A_8 : i1 to i32
    %sign3A_10 = arith.constant 0 : i32
    %sign3A_11 = arith.cmpi slt, %jit3A, %sign3A_10 : i32
    %sign3A_12 = arith.extui %sign3A_11 : i1 to i32
    %sign3A_13 = arith.subi %sign3A_9, %sign3A_12 : i32
    %ne3A = arith.cmpi ne, %sign3A_6, %sign3A_13 : i32
    %rem3A = arith.remsi %arg1, %jit3A : i32
    %ne3A_14 = arith.constant 0 : i32
    %ne3A_15 = arith.cmpi ne, %rem3A, %ne3A_14 : i32
    %and3A = arith.andi %ne3A, %ne3A_15 : i1
    %sub3A = arith.constant 1 : i32
    %sub3A_16 = arith.subi %div3A, %sub3A : i32
    %select_n3A = arith.select %and3A, %sub3A_16, %div3A : i32
    %add3A = arith.addi %mul3A_0, %select_n3A : i32
    %rem3A_17 = arith.constant 2 : i32
    %rem3A_18 = arith.remsi %arg1, %rem3A_17 : i32
    %mul3A_19 = arith.constant 2048 : i32
    %mul3A_20 = arith.muli %rem3A_18, %mul3A_19 : i32
    %mul3A_21 = arith.constant 4096 : i32
    %mul3A_22 = arith.muli %add3A, %mul3A_21 : i32
    %add3A_23 = arith.addi %mul3A_22, %mul3A_20 : i32
    "tpu.region"() ({
      %run_scoped3A = tpu.sem_alloc : memref<!tpu.dma_semaphore, #tpu.memory_space<semaphore_mem>>
      %dma_start3A = tpu.memref_slice %arg2[%add3A_23] : memref<65536xf32, #tpu.memory_space<hbm>> -> memref<2048xf32, #tpu.memory_space<hbm>>
      %dma_start3A_83 = tpu.memref_slice %arg2[%add3A_23] : memref<65536xf32, #tpu.memory_space<hbm>> -> memref<2048xf32, #tpu.memory_space<hbm>>
      tpu.enqueue_dma source(%dma_start3A_83 : memref<2048xf32, #tpu.memory_space<hbm>>) target(%arg4 : memref<2048xf32, #tpu.memory_space<vmem>>) target_semaphore(%run_scoped3A : memref<!tpu.dma_semaphore, #tpu.memory_space<semaphore_mem>>)
      %dma_wait3A = tpu.memref_slice %arg2[%add3A_23] : memref<65536xf32, #tpu.memory_space<hbm>> -> memref<2048xf32, #tpu.memory_space<hbm>>
      %dma_wait3A_84 = tpu.memref_slice %arg2[%add3A_23] : memref<65536xf32, #tpu.memory_space<hbm>> -> memref<2048xf32, #tpu.memory_space<hbm>>
      tpu.wait_dma2 semaphore(%run_scoped3A : memref<!tpu.dma_semaphore, #tpu.memory_space<semaphore_mem>>) src(%dma_wait3A_84 : memref<2048xf32, #tpu.memory_space<hbm>>) dst(%arg4 : memref<2048xf32, #tpu.memory_space<vmem>>)
      tpu.yield
    }) : () -> ()
    %iota3A = tpu.iota {dimensions = array<i32: 0>} : vector<16xi32>
    %broadcast_in_dim3A = arith.constant -2.000000e+00 : f32
    %broadcast_in_dim3A_24 = vector.broadcast %broadcast_in_dim3A : f32 to vector<16xf32>
    %broadcast_in_dim3A_25 = arith.constant 0 : i32
    %broadcast_in_dim3A_26 = vector.broadcast %broadcast_in_dim3A_25 : i32 to vector<16xi32>
    %scan3A = arith.constant 0 : i32
    %scan3A_27 = arith.constant 128 : i32
    %scan3A_28 = arith.addi %scan3A, %scan3A_27 : i32
    %scan3A_29 = arith.constant 8 : i32
    %scan3A_30:2 = scf.for %scan3A_83 = %scan3A to %scan3A_28 step %scan3A_29 iter_args(%scan3A_84 = %broadcast_in_dim3A_24, %scan3A_85 = %broadcast_in_dim3A_26) -> (vector<16xf32>, vector<16xi32>)  : i32 {
      %mul3A_86 = arith.constant 16 : i32
      %mul3A_87 = arith.muli %scan3A_83, %mul3A_86 : i32
      %get3A = arith.index_cast %mul3A_87 : i32 to index
      %get3A_88 = tpu.vector_load %arg4[%get3A] {strides = array<i32>} : memref<2048xf32, #tpu.memory_space<vmem>>, vector<16xf32>,
      %gt3A = arith.cmpf ogt, %get3A_88, %scan3A_84 : vector<16xf32>
      %select_n3A_89 = arith.select %gt3A, %get3A_88, %scan3A_84 : vector<16xi1>, vector<16xf32>
      %broadcast_in_dim3A_90 = vector.broadcast %scan3A_83 : i32 to vector<16xi32>
      %select_n3A_91 = arith.select %gt3A, %broadcast_in_dim3A_90, %scan3A_85 : vector<16xi1>, vector<16xi32>
      %scan3A_92 = arith.constant 1 : i32
      %scan3A_93 = arith.addi %scan3A_83, %scan3A_92 : i32
      %mul3A_94 = arith.constant 16 : i32
      %mul3A_95 = arith.muli %scan3A_93, %mul3A_94 : i32
      %get3A_96 = arith.index_cast %mul3A_95 : i32 to index
      %get3A_97 = tpu.vector_load %arg4[%get3A_96] {strides = array<i32>} : memref<2048xf32, #tpu.memory_space<vmem>>, vector<16xf32>,
      %gt3A_98 = arith.cmpf ogt, %get3A_97, %select_n3A_89 : vector<16xf32>
      %select_n3A_99 = arith.select %gt3A_98, %get3A_97, %select_n3A_89 : vector<16xi1>, vector<16xf32>
      %broadcast_in_dim3A_100 = vector.broadcast %scan3A_93 : i32 to vector<16xi32>
      %select_n3A_101 = arith.select %gt3A_98, %broadcast_in_dim3A_100, %select_n3A_91 : vector<16xi1>, vector<16xi32>
      %scan3A_102 = arith.constant 2 : i32
      %scan3A_103 = arith.addi %scan3A_83, %scan3A_102 : i32
      %mul3A_104 = arith.constant 16 : i32
      %mul3A_105 = arith.muli %scan3A_103, %mul3A_104 : i32
      %get3A_106 = arith.index_cast %mul3A_105 : i32 to index
      %get3A_107 = tpu.vector_load %arg4[%get3A_106] {strides = array<i32>} : memref<2048xf32, #tpu.memory_space<vmem>>, vector<16xf32>,
      %gt3A_108 = arith.cmpf ogt, %get3A_107, %select_n3A_99 : vector<16xf32>
      %select_n3A_109 = arith.select %gt3A_108, %get3A_107, %select_n3A_99 : vector<16xi1>, vector<16xf32>
      %broadcast_in_dim3A_110 = vector.broadcast %scan3A_103 : i32 to vector<16xi32>
      %select_n3A_111 = arith.select %gt3A_108, %broadcast_in_dim3A_110, %select_n3A_101 : vector<16xi1>, vector<16xi32>
      %scan3A_112 = arith.constant 3 : i32
      %scan3A_113 = arith.addi %scan3A_83, %scan3A_112 : i32
      %mul3A_114 = arith.constant 16 : i32
      %mul3A_115 = arith.muli %scan3A_113, %mul3A_114 : i32
      %get3A_116 = arith.index_cast %mul3A_115 : i32 to index
      %get3A_117 = tpu.vector_load %arg4[%get3A_116] {strides = array<i32>} : memref<2048xf32, #tpu.memory_space<vmem>>, vector<16xf32>,
      %gt3A_118 = arith.cmpf ogt, %get3A_117, %select_n3A_109 : vector<16xf32>
      %select_n3A_119 = arith.select %gt3A_118, %get3A_117, %select_n3A_109 : vector<16xi1>, vector<16xf32>
      %broadcast_in_dim3A_120 = vector.broadcast %scan3A_113 : i32 to vector<16xi32>
      %select_n3A_121 = arith.select %gt3A_118, %broadcast_in_dim3A_120, %select_n3A_111 : vector<16xi1>, vector<16xi32>
      %scan3A_122 = arith.constant 4 : i32
      %scan3A_123 = arith.addi %scan3A_83, %scan3A_122 : i32
      %mul3A_124 = arith.constant 16 : i32
      %mul3A_125 = arith.muli %scan3A_123, %mul3A_124 : i32
      %get3A_126 = arith.index_cast %mul3A_125 : i32 to index
      %get3A_127 = tpu.vector_load %arg4[%get3A_126] {strides = array<i32>} : memref<2048xf32, #tpu.memory_space<vmem>>, vector<16xf32>,
      %gt3A_128 = arith.cmpf ogt, %get3A_127, %select_n3A_119 : vector<16xf32>
      %select_n3A_129 = arith.select %gt3A_128, %get3A_127, %select_n3A_119 : vector<16xi1>, vector<16xf32>
      %broadcast_in_dim3A_130 = vector.broadcast %scan3A_123 : i32 to vector<16xi32>
      %select_n3A_131 = arith.select %gt3A_128, %broadcast_in_dim3A_130, %select_n3A_121 : vector<16xi1>, vector<16xi32>
      %scan3A_132 = arith.constant 5 : i32
      %scan3A_133 = arith.addi %scan3A_83, %scan3A_132 : i32
      %mul3A_134 = arith.constant 16 : i32
      %mul3A_135 = arith.muli %scan3A_133, %mul3A_134 : i32
      %get3A_136 = arith.index_cast %mul3A_135 : i32 to index
      %get3A_137 = tpu.vector_load %arg4[%get3A_136] {strides = array<i32>} : memref<2048xf32, #tpu.memory_space<vmem>>, vector<16xf32>,
      %gt3A_138 = arith.cmpf ogt, %get3A_137, %select_n3A_129 : vector<16xf32>
      %select_n3A_139 = arith.select %gt3A_138, %get3A_137, %select_n3A_129 : vector<16xi1>, vector<16xf32>
      %broadcast_in_dim3A_140 = vector.broadcast %scan3A_133 : i32 to vector<16xi32>
      %select_n3A_141 = arith.select %gt3A_138, %broadcast_in_dim3A_140, %select_n3A_131 : vector<16xi1>, vector<16xi32>
      %scan3A_142 = arith.constant 6 : i32
      %scan3A_143 = arith.addi %scan3A_83, %scan3A_142 : i32
      %mul3A_144 = arith.constant 16 : i32
      %mul3A_145 = arith.muli %scan3A_143, %mul3A_144 : i32
      %get3A_146 = arith.index_cast %mul3A_145 : i32 to index
      %get3A_147 = tpu.vector_load %arg4[%get3A_146] {strides = array<i32>} : memref<2048xf32, #tpu.memory_space<vmem>>, vector<16xf32>,
      %gt3A_148 = arith.cmpf ogt, %get3A_147, %select_n3A_139 : vector<16xf32>
      %select_n3A_149 = arith.select %gt3A_148, %get3A_147, %select_n3A_139 : vector<16xi1>, vector<16xf32>
      %broadcast_in_dim3A_150 = vector.broadcast %scan3A_143 : i32 to vector<16xi32>
      %select_n3A_151 = arith.select %gt3A_148, %broadcast_in_dim3A_150, %select_n3A_141 : vector<16xi1>, vector<16xi32>
      %scan3A_152 = arith.constant 7 : i32
      %scan3A_153 = arith.addi %scan3A_83, %scan3A_152 : i32
      %mul3A_154 = arith.constant 16 : i32
      %mul3A_155 = arith.muli %scan3A_153, %mul3A_154 : i32
      %get3A_156 = arith.index_cast %mul3A_155 : i32 to index
      %get3A_157 = tpu.vector_load %arg4[%get3A_156] {strides = array<i32>} : memref<2048xf32, #tpu.memory_space<vmem>>, vector<16xf32>,
      %gt3A_158 = arith.cmpf ogt, %get3A_157, %select_n3A_149 : vector<16xf32>
      %select_n3A_159 = arith.select %gt3A_158, %get3A_157, %select_n3A_149 : vector<16xi1>, vector<16xf32>
      %broadcast_in_dim3A_160 = vector.broadcast %scan3A_153 : i32 to vector<16xi32>
      %select_n3A_161 = arith.select %gt3A_158, %broadcast_in_dim3A_160, %select_n3A_151 : vector<16xi1>, vector<16xi32>
      scf.yield %select_n3A_159, %select_n3A_161 : vector<16xf32>, vector<16xi32>
    }
    %scan3A_31 = arith.constant 128 : i32
    %broadcast_in_dim3A_32 = arith.constant 0 : i32
    %broadcast_in_dim3A_33 = vector.broadcast %broadcast_in_dim3A_32 : i32 to vector<16xi32>
    %broadcast_in_dim3A_34 = arith.constant 0 : i32
    %broadcast_in_dim3A_35 = vector.broadcast %broadcast_in_dim3A_34 : i32 to vector<16xi32>
    %broadcast_in_dim3A_36 = arith.constant 0 : i32
    %broadcast_in_dim3A_37 = vector.broadcast %broadcast_in_dim3A_36 : i32 to vector<16xi32>
    %broadcast_in_dim3A_38 = arith.constant 0 : i32
    %broadcast_in_dim3A_39 = vector.broadcast %broadcast_in_dim3A_38 : i32 to vector<16xi32>
    %broadcast_in_dim3A_40 = arith.constant -2.000000e+00 : f32
    %broadcast_in_dim3A_41 = vector.broadcast %broadcast_in_dim3A_40 : f32 to vector<16xf32>
    %broadcast_in_dim3A_42 = arith.constant -2.000000e+00 : f32
    %broadcast_in_dim3A_43 = vector.broadcast %broadcast_in_dim3A_42 : f32 to vector<16xf32>
    %broadcast_in_dim3A_44 = arith.constant -2.000000e+00 : f32
    %broadcast_in_dim3A_45 = vector.broadcast %broadcast_in_dim3A_44 : f32 to vector<16xf32>
    %broadcast_in_dim3A_46 = arith.constant -2.000000e+00 : f32
    %broadcast_in_dim3A_47 = vector.broadcast %broadcast_in_dim3A_46 : f32 to vector<16xf32>
    %scan3A_48 = arith.constant 0 : i32
    %scan3A_49 = arith.constant 64 : i32
    %scan3A_50 = arith.addi %scan3A_48, %scan3A_49 : i32
    %scan3A_51 = arith.constant 1 : i32
    %scan3A_52:10 = scf.for %scan3A_83 = %scan3A_48 to %scan3A_50 step %scan3A_51 iter_args(%scan3A_84 = %scan3A_30#0, %scan3A_85 = %scan3A_30#1, %scan3A_86 = %broadcast_in_dim3A_33, %scan3A_87 = %broadcast_in_dim3A_35, %scan3A_88 = %broadcast_in_dim3A_37, %scan3A_89 = %broadcast_in_dim3A_39, %scan3A_90 = %broadcast_in_dim3A_41, %scan3A_91 = %broadcast_in_dim3A_43, %scan3A_92 = %broadcast_in_dim3A_45, %scan3A_93 = %broadcast_in_dim3A_47) -> (vector<16xf32>, vector<16xi32>, vector<16xi32>, vector<16xi32>, vector<16xi32>, vector<16xi32>, vector<16xf32>, vector<16xf32>, vector<16xf32>, vector<16xf32>)  : i32 {
      %xor3A = arith.constant 8 : i32
      %xor3A_94 = vector.broadcast %xor3A : i32 to vector<16xi32>
      %xor3A_95 = arith.xori %iota3A, %xor3A_94 : vector<16xi32>
      %broadcast_in_dim3A_96 = vector.shape_cast %xor3A_95 : vector<16xi32> to vector<16x1xi32>
      %gather3A = vector.shape_cast %broadcast_in_dim3A_96 : vector<16x1xi32> to vector<16xi32>
      %gather3A_97 = tpu.dynamic_gather %scan3A_84[%gather3A] in [0] : vector<16xf32>, vector<16xi32> -> vector<16xf32>
      %max3A = arith.maximumf %scan3A_84, %gather3A_97 : vector<16xf32>
      %xor3A_98 = arith.constant 4 : i32
      %xor3A_99 = vector.broadcast %xor3A_98 : i32 to vector<16xi32>
      %xor3A_100 = arith.xori %iota3A, %xor3A_99 : vector<16xi32>
      %broadcast_in_dim3A_101 = vector.shape_cast %xor3A_100 : vector<16xi32> to vector<16x1xi32>
      %gather3A_102 = vector.shape_cast %broadcast_in_dim3A_101 : vector<16x1xi32> to vector<16xi32>
      %gather3A_103 = tpu.dynamic_gather %max3A[%gather3A_102] in [0] : vector<16xf32>, vector<16xi32> -> vector<16xf32>
      %max3A_104 = arith.maximumf %max3A, %gather3A_103 : vector<16xf32>
      %xor3A_105 = arith.constant 2 : i32
      %xor3A_106 = vector.broadcast %xor3A_105 : i32 to vector<16xi32>
      %xor3A_107 = arith.xori %iota3A, %xor3A_106 : vector<16xi32>
      %broadcast_in_dim3A_108 = vector.shape_cast %xor3A_107 : vector<16xi32> to vector<16x1xi32>
      %gather3A_109 = vector.shape_cast %broadcast_in_dim3A_108 : vector<16x1xi32> to vector<16xi32>
      %gather3A_110 = tpu.dynamic_gather %max3A_104[%gather3A_109] in [0] : vector<16xf32>, vector<16xi32> -> vector<16xf32>
      %max3A_111 = arith.maximumf %max3A_104, %gather3A_110 : vector<16xf32>
      %xor3A_112 = arith.constant 1 : i32
      %xor3A_113 = vector.broadcast %xor3A_112 : i32 to vector<16xi32>
      %xor3A_114 = arith.xori %iota3A, %xor3A_113 : vector<16xi32>
      %broadcast_in_dim3A_115 = vector.shape_cast %xor3A_114 : vector<16xi32> to vector<16x1xi32>
      %gather3A_116 = vector.shape_cast %broadcast_in_dim3A_115 : vector<16x1xi32> to vector<16xi32>
      %gather3A_117 = tpu.dynamic_gather %max3A_111[%gather3A_116] in [0] : vector<16xf32>, vector<16xi32> -> vector<16xf32>
      %max3A_118 = arith.maximumf %max3A_111, %gather3A_117 : vector<16xf32>
      %mul3A_119 = arith.constant 16 : i32
      %mul3A_120 = vector.broadcast %mul3A_119 : i32 to vector<16xi32>
      %mul3A_121 = arith.muli %scan3A_85, %mul3A_120 : vector<16xi32>
      %add3A_122 = arith.addi %mul3A_121, %iota3A : vector<16xi32>
      %eq3A_123 = arith.cmpf oeq, %scan3A_84, %max3A_118 : vector<16xf32>
      %jit3A_124 = arith.constant 2048 : i32
      %broadcast_in_dim3A_125 = vector.broadcast %jit3A_124 : i32 to vector<16xi32>
      %select_n3A_126 = arith.select %eq3A_123, %add3A_122, %broadcast_in_dim3A_125 : vector<16xi1>, vector<16xi32>
      %xor3A_127 = arith.constant 8 : i32
      %xor3A_128 = vector.broadcast %xor3A_127 : i32 to vector<16xi32>
      %xor3A_129 = arith.xori %iota3A, %xor3A_128 : vector<16xi32>
      %broadcast_in_dim3A_130 = vector.shape_cast %xor3A_129 : vector<16xi32> to vector<16x1xi32>
      %gather3A_131 = vector.shape_cast %broadcast_in_dim3A_130 : vector<16x1xi32> to vector<16xi32>
      %gather3A_132 = tpu.dynamic_gather %select_n3A_126[%gather3A_131] in [0] : vector<16xi32>, vector<16xi32> -> vector<16xi32>
      %min3A = arith.minsi %select_n3A_126, %gather3A_132 : vector<16xi32>
      %xor3A_133 = arith.constant 4 : i32
      %xor3A_134 = vector.broadcast %xor3A_133 : i32 to vector<16xi32>
      %xor3A_135 = arith.xori %iota3A, %xor3A_134 : vector<16xi32>
      %broadcast_in_dim3A_136 = vector.shape_cast %xor3A_135 : vector<16xi32> to vector<16x1xi32>
      %gather3A_137 = vector.shape_cast %broadcast_in_dim3A_136 : vector<16x1xi32> to vector<16xi32>
      %gather3A_138 = tpu.dynamic_gather %min3A[%gather3A_137] in [0] : vector<16xi32>, vector<16xi32> -> vector<16xi32>
      %min3A_139 = arith.minsi %min3A, %gather3A_138 : vector<16xi32>
      %xor3A_140 = arith.constant 2 : i32
      %xor3A_141 = vector.broadcast %xor3A_140 : i32 to vector<16xi32>
      %xor3A_142 = arith.xori %iota3A, %xor3A_141 : vector<16xi32>
      %broadcast_in_dim3A_143 = vector.shape_cast %xor3A_142 : vector<16xi32> to vector<16x1xi32>
      %gather3A_144 = vector.shape_cast %broadcast_in_dim3A_143 : vector<16x1xi32> to vector<16xi32>
      %gather3A_145 = tpu.dynamic_gather %min3A_139[%gather3A_144] in [0] : vector<16xi32>, vector<16xi32> -> vector<16xi32>
      %min3A_146 = arith.minsi %min3A_139, %gather3A_145 : vector<16xi32>
      %xor3A_147 = arith.constant 1 : i32
      %xor3A_148 = vector.broadcast %xor3A_147 : i32 to vector<16xi32>
      %xor3A_149 = arith.xori %iota3A, %xor3A_148 : vector<16xi32>
      %broadcast_in_dim3A_150 = vector.shape_cast %xor3A_149 : vector<16xi32> to vector<16x1xi32>
      %gather3A_151 = vector.shape_cast %broadcast_in_dim3A_150 : vector<16x1xi32> to vector<16xi32>
      %gather3A_152 = tpu.dynamic_gather %min3A_146[%gather3A_151] in [0] : vector<16xi32>, vector<16xi32> -> vector<16xi32>
      %min3A_153 = arith.minsi %min3A_146, %gather3A_152 : vector<16xi32>
      %slice3A = vector.extract_strided_slice %min3A_153 {offsets = [0], sizes = [1], strides = [1]} : vector<16xi32> to vector<1xi32>
      %squeeze3A = vector.extract %slice3A[0] : i32 from vector<1xi32>
      %rem3A_154 = arith.constant 16 : i32
      %rem3A_155 = arith.remsi %squeeze3A, %rem3A_154 : i32
      %sub3A_156 = arith.subi %squeeze3A, %rem3A_155 : i32
      %eq3A_157 = vector.broadcast %rem3A_155 : i32 to vector<16xi32>
      %eq3A_158 = arith.cmpi eq, %iota3A, %eq3A_157 : vector<16xi32>
      %get3A = arith.index_cast %sub3A_156 : i32 to index
      %get3A_159 = tpu.vector_load %arg4[%get3A] {strides = array<i32>} : memref<2048xf32, #tpu.memory_space<vmem>>, vector<16xf32>,
      %select_n3A_160 = arith.select %eq3A_158, %broadcast_in_dim3A_24, %get3A_159 : vector<16xi1>, vector<16xf32>
      %swap3A_161 = arith.index_cast %sub3A_156 : i32 to index
      %swap3A_162 = tpu.vector_load %arg4[%swap3A_161] {strides = array<i32>} : memref<2048xf32, #tpu.memory_space<vmem>>, vector<16xf32>,
      tpu.vector_store %arg4[%swap3A_161], %select_n3A_160 {strides = array<i32>} : memref<2048xf32, #tpu.memory_space<vmem>>, vector<16xf32>,
      %rem3A_163 = arith.constant 16 : i32
      %rem3A_164 = arith.remsi %scan3A_83, %rem3A_163 : i32
      %eq3A_165 = vector.broadcast %rem3A_164 : i32 to vector<16xi32>
      %eq3A_166 = arith.cmpi eq, %iota3A, %eq3A_165 : vector<16xi32>
      %jit3A_167 = arith.constant 16 : i32
      %div3A_168 = arith.divsi %scan3A_83, %jit3A_167 : i32
      %sign3A_169 = arith.constant 0 : i32
      %sign3A_170 = arith.cmpi sgt, %scan3A_83, %sign3A_169 : i32
      %sign3A_171 = arith.extui %sign3A_170 : i1 to i32
      %sign3A_172 = arith.constant 0 : i32
      %sign3A_173 = arith.cmpi slt, %scan3A_83, %sign3A_172 : i32
      %sign3A_174 = arith.extui %sign3A_173 : i1 to i32
      %sign3A_175 = arith.subi %sign3A_171, %sign3A_174 : i32
      %sign3A_176 = arith.constant 0 : i32
      %sign3A_177 = arith.cmpi sgt, %jit3A_167, %sign3A_176 : i32
      %sign3A_178 = arith.extui %sign3A_177 : i1 to i32
      %sign3A_179 = arith.constant 0 : i32
      %sign3A_180 = arith.cmpi slt, %jit3A_167, %sign3A_179 : i32
      %sign3A_181 = arith.extui %sign3A_180 : i1 to i32
      %sign3A_182 = arith.subi %sign3A_178, %sign3A_181 : i32
      %ne3A_183 = arith.cmpi ne, %sign3A_175, %sign3A_182 : i32
      %rem3A_184 = arith.remsi %scan3A_83, %jit3A_167 : i32
      %ne3A_185 = arith.constant 0 : i32
      %ne3A_186 = arith.cmpi ne, %rem3A_184, %ne3A_185 : i32
      %and3A_187 = arith.andi %ne3A_183, %ne3A_186 : i1
      %sub3A_188 = arith.constant 1 : i32
      %sub3A_189 = arith.subi %div3A_168, %sub3A_188 : i32
      %select_n3A_190 = arith.select %and3A_187, %sub3A_189, %div3A_168 : i32
      %eq3A_191 = arith.constant 0 : i32
      %eq3A_192 = arith.cmpi eq, %select_n3A_190, %eq3A_191 : i32
      %and3A_193 = vector.broadcast %eq3A_192 : i1 to vector<16xi1>
      %and3A_194 = arith.andi %and3A_193, %eq3A_166 : vector<16xi1>
      %broadcast_in_dim3A_195 = vector.broadcast %squeeze3A : i32 to vector<16xi32>
      %select_n3A_196 = arith.select %and3A_194, %broadcast_in_dim3A_195, %scan3A_86 : vector<16xi1>, vector<16xi32>
      %eq3A_197 = arith.constant 1 : i32
      %eq3A_198 = arith.cmpi eq, %select_n3A_190, %eq3A_197 : i32
      %and3A_199 = vector.broadcast %eq3A_198 : i1 to vector<16xi1>
      %and3A_200 = arith.andi %and3A_199, %eq3A_166 : vector<16xi1>
      %broadcast_in_dim3A_201 = vector.broadcast %squeeze3A : i32 to vector<16xi32>
      %select_n3A_202 = arith.select %and3A_200, %broadcast_in_dim3A_201, %scan3A_87 : vector<16xi1>, vector<16xi32>
      %eq3A_203 = arith.constant 2 : i32
      %eq3A_204 = arith.cmpi eq, %select_n3A_190, %eq3A_203 : i32
      %and3A_205 = vector.broadcast %eq3A_204 : i1 to vector<16xi1>
      %and3A_206 = arith.andi %and3A_205, %eq3A_166 : vector<16xi1>
      %broadcast_in_dim3A_207 = vector.broadcast %squeeze3A : i32 to vector<16xi32>
      %select_n3A_208 = arith.select %and3A_206, %broadcast_in_dim3A_207, %scan3A_88 : vector<16xi1>, vector<16xi32>
      %eq3A_209 = arith.constant 3 : i32
      %eq3A_210 = arith.cmpi eq, %select_n3A_190, %eq3A_209 : i32
      %and3A_211 = vector.broadcast %eq3A_210 : i1 to vector<16xi1>
      %and3A_212 = arith.andi %and3A_211, %eq3A_166 : vector<16xi1>
      %broadcast_in_dim3A_213 = vector.broadcast %squeeze3A : i32 to vector<16xi32>
      %select_n3A_214 = arith.select %and3A_212, %broadcast_in_dim3A_213, %scan3A_89 : vector<16xi1>, vector<16xi32>
      %eq3A_215 = arith.constant 0 : i32
      %eq3A_216 = arith.cmpi eq, %select_n3A_190, %eq3A_215 : i32
      %and3A_217 = vector.broadcast %eq3A_216 : i1 to vector<16xi1>
      %and3A_218 = arith.andi %and3A_217, %eq3A_166 : vector<16xi1>
      %select_n3A_219 = arith.select %and3A_218, %max3A_118, %scan3A_90 : vector<16xi1>, vector<16xf32>
      %eq3A_220 = arith.constant 1 : i32
      %eq3A_221 = arith.cmpi eq, %select_n3A_190, %eq3A_220 : i32
      %and3A_222 = vector.broadcast %eq3A_221 : i1 to vector<16xi1>
      %and3A_223 = arith.andi %and3A_222, %eq3A_166 : vector<16xi1>
      %select_n3A_224 = arith.select %and3A_223, %max3A_118, %scan3A_91 : vector<16xi1>, vector<16xf32>
      %eq3A_225 = arith.constant 2 : i32
      %eq3A_226 = arith.cmpi eq, %select_n3A_190, %eq3A_225 : i32
      %and3A_227 = vector.broadcast %eq3A_226 : i1 to vector<16xi1>
      %and3A_228 = arith.andi %and3A_227, %eq3A_166 : vector<16xi1>
      %select_n3A_229 = arith.select %and3A_228, %max3A_118, %scan3A_92 : vector<16xi1>, vector<16xf32>
      %eq3A_230 = arith.constant 3 : i32
      %eq3A_231 = arith.cmpi eq, %select_n3A_190, %eq3A_230 : i32
      %and3A_232 = vector.broadcast %eq3A_231 : i1 to vector<16xi1>
      %and3A_233 = arith.andi %and3A_232, %eq3A_166 : vector<16xi1>
      %select_n3A_234 = arith.select %and3A_233, %max3A_118, %scan3A_93 : vector<16xi1>, vector<16xf32>
      %add3A_235 = arith.constant 0 : i32
      %add3A_236 = vector.broadcast %add3A_235 : i32 to vector<16xi32>
      %add3A_237 = arith.addi %add3A_236, %iota3A : vector<16xi32>
      %mul3A_238 = arith.constant 16 : i32
      %mul3A_239 = vector.broadcast %mul3A_238 : i32 to vector<16xi32>
      %mul3A_240 = arith.muli %add3A_237, %mul3A_239 : vector<16xi32>
      %add3A_241 = vector.broadcast %rem3A_155 : i32 to vector<16xi32>
      %add3A_242 = arith.addi %mul3A_240, %add3A_241 : vector<16xi32>
      %gather3A_243 = tpu.vector_load_idx %arg4[%add3A_242] : memref<2048xf32, #tpu.memory_space<vmem>>[vector<16xi32>], vector<16xf32>,
      %max3A_244 = arith.maximumf %broadcast_in_dim3A_24, %gather3A_243 : vector<16xf32>
      %add3A_245 = arith.constant 16 : i32
      %add3A_246 = vector.broadcast %add3A_245 : i32 to vector<16xi32>
      %add3A_247 = arith.addi %add3A_246, %iota3A : vector<16xi32>
      %mul3A_248 = arith.constant 16 : i32
      %mul3A_249 = vector.broadcast %mul3A_248 : i32 to vector<16xi32>
      %mul3A_250 = arith.muli %add3A_247, %mul3A_249 : vector<16xi32>
      %add3A_251 = vector.broadcast %rem3A_155 : i32 to vector<16xi32>
      %add3A_252 = arith.addi %mul3A_250, %add3A_251 : vector<16xi32>
      %gather3A_253 = tpu.vector_load_idx %arg4[%add3A_252] : memref<2048xf32, #tpu.memory_space<vmem>>[vector<16xi32>], vector<16xf32>,
      %max3A_254 = arith.maximumf %max3A_244, %gather3A_253 : vector<16xf32>
      %add3A_255 = arith.constant 32 : i32
      %add3A_256 = vector.broadcast %add3A_255 : i32 to vector<16xi32>
      %add3A_257 = arith.addi %add3A_256, %iota3A : vector<16xi32>
      %mul3A_258 = arith.constant 16 : i32
      %mul3A_259 = vector.broadcast %mul3A_258 : i32 to vector<16xi32>
      %mul3A_260 = arith.muli %add3A_257, %mul3A_259 : vector<16xi32>
      %add3A_261 = vector.broadcast %rem3A_155 : i32 to vector<16xi32>
      %add3A_262 = arith.addi %mul3A_260, %add3A_261 : vector<16xi32>
      %gather3A_263 = tpu.vector_load_idx %arg4[%add3A_262] : memref<2048xf32, #tpu.memory_space<vmem>>[vector<16xi32>], vector<16xf32>,
      %max3A_264 = arith.maximumf %max3A_254, %gather3A_263 : vector<16xf32>
      %add3A_265 = arith.constant 48 : i32
      %add3A_266 = vector.broadcast %add3A_265 : i32 to vector<16xi32>
      %add3A_267 = arith.addi %add3A_266, %iota3A : vector<16xi32>
      %mul3A_268 = arith.constant 16 : i32
      %mul3A_269 = vector.broadcast %mul3A_268 : i32 to vector<16xi32>
      %mul3A_270 = arith.muli %add3A_267, %mul3A_269 : vector<16xi32>
      %add3A_271 = vector.broadcast %rem3A_155 : i32 to vector<16xi32>
      %add3A_272 = arith.addi %mul3A_270, %add3A_271 : vector<16xi32>
      %gather3A_273 = tpu.vector_load_idx %arg4[%add3A_272] : memref<2048xf32, #tpu.memory_space<vmem>>[vector<16xi32>], vector<16xf32>,
      %max3A_274 = arith.maximumf %max3A_264, %gather3A_273 : vector<16xf32>
      %add3A_275 = arith.constant 64 : i32
      %add3A_276 = vector.broadcast %add3A_275 : i32 to vector<16xi32>
      %add3A_277 = arith.addi %add3A_276, %iota3A : vector<16xi32>
      %mul3A_278 = arith.constant 16 : i32
      %mul3A_279 = vector.broadcast %mul3A_278 : i32 to vector<16xi32>
      %mul3A_280 = arith.muli %add3A_277, %mul3A_279 : vector<16xi32>
      %add3A_281 = vector.broadcast %rem3A_155 : i32 to vector<16xi32>
      %add3A_282 = arith.addi %mul3A_280, %add3A_281 : vector<16xi32>
      %gather3A_283 = tpu.vector_load_idx %arg4[%add3A_282] : memref<2048xf32, #tpu.memory_space<vmem>>[vector<16xi32>], vector<16xf32>,
      %max3A_284 = arith.maximumf %max3A_274, %gather3A_283 : vector<16xf32>
      %add3A_285 = arith.constant 80 : i32
      %add3A_286 = vector.broadcast %add3A_285 : i32 to vector<16xi32>
      %add3A_287 = arith.addi %add3A_286, %iota3A : vector<16xi32>
      %mul3A_288 = arith.constant 16 : i32
      %mul3A_289 = vector.broadcast %mul3A_288 : i32 to vector<16xi32>
      %mul3A_290 = arith.muli %add3A_287, %mul3A_289 : vector<16xi32>
      %add3A_291 = vector.broadcast %rem3A_155 : i32 to vector<16xi32>
      %add3A_292 = arith.addi %mul3A_290, %add3A_291 : vector<16xi32>
      %gather3A_293 = tpu.vector_load_idx %arg4[%add3A_292] : memref<2048xf32, #tpu.memory_space<vmem>>[vector<16xi32>], vector<16xf32>,
      %max3A_294 = arith.maximumf %max3A_284, %gather3A_293 : vector<16xf32>
      %add3A_295 = arith.constant 96 : i32
      %add3A_296 = vector.broadcast %add3A_295 : i32 to vector<16xi32>
      %add3A_297 = arith.addi %add3A_296, %iota3A : vector<16xi32>
      %mul3A_298 = arith.constant 16 : i32
      %mul3A_299 = vector.broadcast %mul3A_298 : i32 to vector<16xi32>
      %mul3A_300 = arith.muli %add3A_297, %mul3A_299 : vector<16xi32>
      %add3A_301 = vector.broadcast %rem3A_155 : i32 to vector<16xi32>
      %add3A_302 = arith.addi %mul3A_300, %add3A_301 : vector<16xi32>
      %gather3A_303 = tpu.vector_load_idx %arg4[%add3A_302] : memref<2048xf32, #tpu.memory_space<vmem>>[vector<16xi32>], vector<16xf32>,
      %max3A_304 = arith.maximumf %max3A_294, %gather3A_303 : vector<16xf32>
      %add3A_305 = arith.constant 112 : i32
      %add3A_306 = vector.broadcast %add3A_305 : i32 to vector<16xi32>
      %add3A_307 = arith.addi %add3A_306, %iota3A : vector<16xi32>
      %mul3A_308 = arith.constant 16 : i32
      %mul3A_309 = vector.broadcast %mul3A_308 : i32 to vector<16xi32>
      %mul3A_310 = arith.muli %add3A_307, %mul3A_309 : vector<16xi32>
      %add3A_311 = vector.broadcast %rem3A_155 : i32 to vector<16xi32>
      %add3A_312 = arith.addi %mul3A_310, %add3A_311 : vector<16xi32>
      %gather3A_313 = tpu.vector_load_idx %arg4[%add3A_312] : memref<2048xf32, #tpu.memory_space<vmem>>[vector<16xi32>], vector<16xf32>,
      %max3A_314 = arith.maximumf %max3A_304, %gather3A_313 : vector<16xf32>
      %xor3A_315 = arith.constant 8 : i32
      %xor3A_316 = vector.broadcast %xor3A_315 : i32 to vector<16xi32>
      %xor3A_317 = arith.xori %iota3A, %xor3A_316 : vector<16xi32>
      %broadcast_in_dim3A_318 = vector.shape_cast %xor3A_317 : vector<16xi32> to vector<16x1xi32>
      %gather3A_319 = vector.shape_cast %broadcast_in_dim3A_318 : vector<16x1xi32> to vector<16xi32>
      %gather3A_320 = tpu.dynamic_gather %max3A_314[%gather3A_319] in [0] : vector<16xf32>, vector<16xi32> -> vector<16xf32>
      %max3A_321 = arith.maximumf %max3A_314, %gather3A_320 : vector<16xf32>
      %xor3A_322 = arith.constant 4 : i32
      %xor3A_323 = vector.broadcast %xor3A_322 : i32 to vector<16xi32>
      %xor3A_324 = arith.xori %iota3A, %xor3A_323 : vector<16xi32>
      %broadcast_in_dim3A_325 = vector.shape_cast %xor3A_324 : vector<16xi32> to vector<16x1xi32>
      %gather3A_326 = vector.shape_cast %broadcast_in_dim3A_325 : vector<16x1xi32> to vector<16xi32>
      %gather3A_327 = tpu.dynamic_gather %max3A_321[%gather3A_326] in [0] : vector<16xf32>, vector<16xi32> -> vector<16xf32>
      %max3A_328 = arith.maximumf %max3A_321, %gather3A_327 : vector<16xf32>
      %xor3A_329 = arith.constant 2 : i32
      %xor3A_330 = vector.broadcast %xor3A_329 : i32 to vector<16xi32>
      %xor3A_331 = arith.xori %iota3A, %xor3A_330 : vector<16xi32>
      %broadcast_in_dim3A_332 = vector.shape_cast %xor3A_331 : vector<16xi32> to vector<16x1xi32>
      %gather3A_333 = vector.shape_cast %broadcast_in_dim3A_332 : vector<16x1xi32> to vector<16xi32>
      %gather3A_334 = tpu.dynamic_gather %max3A_328[%gather3A_333] in [0] : vector<16xf32>, vector<16xi32> -> vector<16xf32>
      %max3A_335 = arith.maximumf %max3A_328, %gather3A_334 : vector<16xf32>
      %xor3A_336 = arith.constant 1 : i32
      %xor3A_337 = vector.broadcast %xor3A_336 : i32 to vector<16xi32>
      %xor3A_338 = arith.xori %iota3A, %xor3A_337 : vector<16xi32>
      %broadcast_in_dim3A_339 = vector.shape_cast %xor3A_338 : vector<16xi32> to vector<16x1xi32>
      %gather3A_340 = vector.shape_cast %broadcast_in_dim3A_339 : vector<16x1xi32> to vector<16xi32>
      %gather3A_341 = tpu.dynamic_gather %max3A_335[%gather3A_340] in [0] : vector<16xf32>, vector<16xi32> -> vector<16xf32>
      %max3A_342 = arith.maximumf %max3A_335, %gather3A_341 : vector<16xf32>
      %broadcast_in_dim3A_343 = arith.constant 2048 : i32
      %broadcast_in_dim3A_344 = vector.broadcast %broadcast_in_dim3A_343 : i32 to vector<16xi32>
      %eq3A_345 = arith.cmpf oeq, %gather3A_243, %max3A_342 : vector<16xf32>
      %add3A_346 = arith.constant 0 : i32
      %add3A_347 = vector.broadcast %add3A_346 : i32 to vector<16xi32>
      %add3A_348 = arith.addi %add3A_347, %iota3A : vector<16xi32>
      %jit3A_349 = arith.constant 2048 : i32
      %broadcast_in_dim3A_350 = vector.broadcast %jit3A_349 : i32 to vector<16xi32>
      %select_n3A_351 = arith.select %eq3A_345, %add3A_348, %broadcast_in_dim3A_350 : vector<16xi1>, vector<16xi32>
      %min3A_352 = arith.minsi %broadcast_in_dim3A_344, %select_n3A_351 : vector<16xi32>
      %eq3A_353 = arith.cmpf oeq, %gather3A_253, %max3A_342 : vector<16xf32>
      %add3A_354 = arith.constant 16 : i32
      %add3A_355 = vector.broadcast %add3A_354 : i32 to vector<16xi32>
      %add3A_356 = arith.addi %add3A_355, %iota3A : vector<16xi32>
      %jit3A_357 = arith.constant 2048 : i32
      %broadcast_in_dim3A_358 = vector.broadcast %jit3A_357 : i32 to vector<16xi32>
      %select_n3A_359 = arith.select %eq3A_353, %add3A_356, %broadcast_in_dim3A_358 : vector<16xi1>, vector<16xi32>
      %min3A_360 = arith.minsi %min3A_352, %select_n3A_359 : vector<16xi32>
      %eq3A_361 = arith.cmpf oeq, %gather3A_263, %max3A_342 : vector<16xf32>
      %add3A_362 = arith.constant 32 : i32
      %add3A_363 = vector.broadcast %add3A_362 : i32 to vector<16xi32>
      %add3A_364 = arith.addi %add3A_363, %iota3A : vector<16xi32>
      %jit3A_365 = arith.constant 2048 : i32
      %broadcast_in_dim3A_366 = vector.broadcast %jit3A_365 : i32 to vector<16xi32>
      %select_n3A_367 = arith.select %eq3A_361, %add3A_364, %broadcast_in_dim3A_366 : vector<16xi1>, vector<16xi32>
      %min3A_368 = arith.minsi %min3A_360, %select_n3A_367 : vector<16xi32>
      %eq3A_369 = arith.cmpf oeq, %gather3A_273, %max3A_342 : vector<16xf32>
      %add3A_370 = arith.constant 48 : i32
      %add3A_371 = vector.broadcast %add3A_370 : i32 to vector<16xi32>
      %add3A_372 = arith.addi %add3A_371, %iota3A : vector<16xi32>
      %jit3A_373 = arith.constant 2048 : i32
      %broadcast_in_dim3A_374 = vector.broadcast %jit3A_373 : i32 to vector<16xi32>
      %select_n3A_375 = arith.select %eq3A_369, %add3A_372, %broadcast_in_dim3A_374 : vector<16xi1>, vector<16xi32>
      %min3A_376 = arith.minsi %min3A_368, %select_n3A_375 : vector<16xi32>
      %eq3A_377 = arith.cmpf oeq, %gather3A_283, %max3A_342 : vector<16xf32>
      %add3A_378 = arith.constant 64 : i32
      %add3A_379 = vector.broadcast %add3A_378 : i32 to vector<16xi32>
      %add3A_380 = arith.addi %add3A_379, %iota3A : vector<16xi32>
      %jit3A_381 = arith.constant 2048 : i32
      %broadcast_in_dim3A_382 = vector.broadcast %jit3A_381 : i32 to vector<16xi32>
      %select_n3A_383 = arith.select %eq3A_377, %add3A_380, %broadcast_in_dim3A_382 : vector<16xi1>, vector<16xi32>
      %min3A_384 = arith.minsi %min3A_376, %select_n3A_383 : vector<16xi32>
      %eq3A_385 = arith.cmpf oeq, %gather3A_293, %max3A_342 : vector<16xf32>
      %add3A_386 = arith.constant 80 : i32
      %add3A_387 = vector.broadcast %add3A_386 : i32 to vector<16xi32>
      %add3A_388 = arith.addi %add3A_387, %iota3A : vector<16xi32>
      %jit3A_389 = arith.constant 2048 : i32
      %broadcast_in_dim3A_390 = vector.broadcast %jit3A_389 : i32 to vector<16xi32>
      %select_n3A_391 = arith.select %eq3A_385, %add3A_388, %broadcast_in_dim3A_390 : vector<16xi1>, vector<16xi32>
      %min3A_392 = arith.minsi %min3A_384, %select_n3A_391 : vector<16xi32>
      %eq3A_393 = arith.cmpf oeq, %gather3A_303, %max3A_342 : vector<16xf32>
      %add3A_394 = arith.constant 96 : i32
      %add3A_395 = vector.broadcast %add3A_394 : i32 to vector<16xi32>
      %add3A_396 = arith.addi %add3A_395, %iota3A : vector<16xi32>
      %jit3A_397 = arith.constant 2048 : i32
      %broadcast_in_dim3A_398 = vector.broadcast %jit3A_397 : i32 to vector<16xi32>
      %select_n3A_399 = arith.select %eq3A_393, %add3A_396, %broadcast_in_dim3A_398 : vector<16xi1>, vector<16xi32>
      %min3A_400 = arith.minsi %min3A_392, %select_n3A_399 : vector<16xi32>
      %eq3A_401 = arith.cmpf oeq, %gather3A_313, %max3A_342 : vector<16xf32>
      %add3A_402 = arith.constant 112 : i32
      %add3A_403 = vector.broadcast %add3A_402 : i32 to vector<16xi32>
      %add3A_404 = arith.addi %add3A_403, %iota3A : vector<16xi32>
      %jit3A_405 = arith.constant 2048 : i32
      %broadcast_in_dim3A_406 = vector.broadcast %jit3A_405 : i32 to vector<16xi32>
      %select_n3A_407 = arith.select %eq3A_401, %add3A_404, %broadcast_in_dim3A_406 : vector<16xi1>, vector<16xi32>
      %min3A_408 = arith.minsi %min3A_400, %select_n3A_407 : vector<16xi32>
      %xor3A_409 = arith.constant 8 : i32
      %xor3A_410 = vector.broadcast %xor3A_409 : i32 to vector<16xi32>
      %xor3A_411 = arith.xori %iota3A, %xor3A_410 : vector<16xi32>
      %broadcast_in_dim3A_412 = vector.shape_cast %xor3A_411 : vector<16xi32> to vector<16x1xi32>
      %gather3A_413 = vector.shape_cast %broadcast_in_dim3A_412 : vector<16x1xi32> to vector<16xi32>
      %gather3A_414 = tpu.dynamic_gather %min3A_408[%gather3A_413] in [0] : vector<16xi32>, vector<16xi32> -> vector<16xi32>
      %min3A_415 = arith.minsi %min3A_408, %gather3A_414 : vector<16xi32>
      %xor3A_416 = arith.constant 4 : i32
      %xor3A_417 = vector.broadcast %xor3A_416 : i32 to vector<16xi32>
      %xor3A_418 = arith.xori %iota3A, %xor3A_417 : vector<16xi32>
      %broadcast_in_dim3A_419 = vector.shape_cast %xor3A_418 : vector<16xi32> to vector<16x1xi32>
      %gather3A_420 = vector.shape_cast %broadcast_in_dim3A_419 : vector<16x1xi32> to vector<16xi32>
      %gather3A_421 = tpu.dynamic_gather %min3A_415[%gather3A_420] in [0] : vector<16xi32>, vector<16xi32> -> vector<16xi32>
      %min3A_422 = arith.minsi %min3A_415, %gather3A_421 : vector<16xi32>
      %xor3A_423 = arith.constant 2 : i32
      %xor3A_424 = vector.broadcast %xor3A_423 : i32 to vector<16xi32>
      %xor3A_425 = arith.xori %iota3A, %xor3A_424 : vector<16xi32>
      %broadcast_in_dim3A_426 = vector.shape_cast %xor3A_425 : vector<16xi32> to vector<16x1xi32>
      %gather3A_427 = vector.shape_cast %broadcast_in_dim3A_426 : vector<16x1xi32> to vector<16xi32>
      %gather3A_428 = tpu.dynamic_gather %min3A_422[%gather3A_427] in [0] : vector<16xi32>, vector<16xi32> -> vector<16xi32>
      %min3A_429 = arith.minsi %min3A_422, %gather3A_428 : vector<16xi32>
      %xor3A_430 = arith.constant 1 : i32
      %xor3A_431 = vector.broadcast %xor3A_430 : i32 to vector<16xi32>
      %xor3A_432 = arith.xori %iota3A, %xor3A_431 : vector<16xi32>
      %broadcast_in_dim3A_433 = vector.shape_cast %xor3A_432 : vector<16xi32> to vector<16x1xi32>
      %gather3A_434 = vector.shape_cast %broadcast_in_dim3A_433 : vector<16x1xi32> to vector<16xi32>
      %gather3A_435 = tpu.dynamic_gather %min3A_429[%gather3A_434] in [0] : vector<16xi32>, vector<16xi32> -> vector<16xi32>
      %min3A_436 = arith.minsi %min3A_429, %gather3A_435 : vector<16xi32>
      %select_n3A_437 = arith.select %eq3A_158, %max3A_342, %scan3A_84 : vector<16xi1>, vector<16xf32>
      %select_n3A_438 = arith.select %eq3A_158, %min3A_436, %scan3A_85 : vector<16xi1>, vector<16xi32>
      scf.yield %select_n3A_437, %select_n3A_438, %select_n3A_196, %select_n3A_202, %select_n3A_208, %select_n3A_214, %select_n3A_219, %select_n3A_224, %select_n3A_229, %select_n3A_234 : vector<16xf32>, vector<16xi32>, vector<16xi32>, vector<16xi32>, vector<16xi32>, vector<16xi32>, vector<16xf32>, vector<16xf32>, vector<16xf32>, vector<16xf32>
    }
    %scan3A_53 = arith.constant 64 : i32
    %add3A_54 = vector.broadcast %mul3A_20 : i32 to vector<16xi32>
    %add3A_55 = arith.addi %scan3A_52#2, %add3A_54 : vector<16xi32>
    %add3A_56 = vector.broadcast %mul3A_20 : i32 to vector<16xi32>
    %add3A_57 = arith.addi %scan3A_52#3, %add3A_56 : vector<16xi32>
    %add3A_58 = vector.broadcast %mul3A_20 : i32 to vector<16xi32>
    %add3A_59 = arith.addi %scan3A_52#4, %add3A_58 : vector<16xi32>
    %add3A_60 = vector.broadcast %mul3A_20 : i32 to vector<16xi32>
    %add3A_61 = arith.addi %scan3A_52#5, %add3A_60 : vector<16xi32>
    %swap3A = arith.constant 0 : index
    %swap3A_62 = tpu.vector_load %arg5[%swap3A] {strides = array<i32>} : memref<64xi32, #tpu.memory_space<vmem>>, vector<16xi32>,
    tpu.vector_store %arg5[%swap3A], %add3A_55 {strides = array<i32>} : memref<64xi32, #tpu.memory_space<vmem>>, vector<16xi32>,
    %swap3A_63 = arith.constant 0 : index
    %swap3A_64 = tpu.vector_load %arg6[%swap3A_63] {strides = array<i32>} : memref<64xf32, #tpu.memory_space<vmem>>, vector<16xf32>,
    tpu.vector_store %arg6[%swap3A_63], %scan3A_52#6 {strides = array<i32>} : memref<64xf32, #tpu.memory_space<vmem>>, vector<16xf32>,
    %swap3A_65 = arith.constant 16 : index
    %swap3A_66 = tpu.vector_load %arg5[%swap3A_65] {strides = array<i32>} : memref<64xi32, #tpu.memory_space<vmem>>, vector<16xi32>,
    tpu.vector_store %arg5[%swap3A_65], %add3A_57 {strides = array<i32>} : memref<64xi32, #tpu.memory_space<vmem>>, vector<16xi32>,
    %swap3A_67 = arith.constant 16 : index
    %swap3A_68 = tpu.vector_load %arg6[%swap3A_67] {strides = array<i32>} : memref<64xf32, #tpu.memory_space<vmem>>, vector<16xf32>,
    tpu.vector_store %arg6[%swap3A_67], %scan3A_52#7 {strides = array<i32>} : memref<64xf32, #tpu.memory_space<vmem>>, vector<16xf32>,
    %swap3A_69 = arith.constant 32 : index
    %swap3A_70 = tpu.vector_load %arg5[%swap3A_69] {strides = array<i32>} : memref<64xi32, #tpu.memory_space<vmem>>, vector<16xi32>,
    tpu.vector_store %arg5[%swap3A_69], %add3A_59 {strides = array<i32>} : memref<64xi32, #tpu.memory_space<vmem>>, vector<16xi32>,
    %swap3A_71 = arith.constant 32 : index
    %swap3A_72 = tpu.vector_load %arg6[%swap3A_71] {strides = array<i32>} : memref<64xf32, #tpu.memory_space<vmem>>, vector<16xf32>,
    tpu.vector_store %arg6[%swap3A_71], %scan3A_52#8 {strides = array<i32>} : memref<64xf32, #tpu.memory_space<vmem>>, vector<16xf32>,
    %swap3A_73 = arith.constant 48 : index
    %swap3A_74 = tpu.vector_load %arg5[%swap3A_73] {strides = array<i32>} : memref<64xi32, #tpu.memory_space<vmem>>, vector<16xi32>,
    tpu.vector_store %arg5[%swap3A_73], %add3A_61 {strides = array<i32>} : memref<64xi32, #tpu.memory_space<vmem>>, vector<16xi32>,
    %swap3A_75 = arith.constant 48 : index
    %swap3A_76 = tpu.vector_load %arg6[%swap3A_75] {strides = array<i32>} : memref<64xf32, #tpu.memory_space<vmem>>, vector<16xf32>,
    tpu.vector_store %arg6[%swap3A_75], %scan3A_52#9 {strides = array<i32>} : memref<64xf32, #tpu.memory_space<vmem>>, vector<16xf32>,
    %mul3A_77 = arith.constant 64 : i32
    %mul3A_78 = arith.muli %arg1, %mul3A_77 : i32
    "tpu.region"() ({
      %run_scoped3A = tpu.sem_alloc : memref<!tpu.dma_semaphore, #tpu.memory_space<semaphore_mem>>
      %dma_start3A = tpu.memref_slice %arg9[%mul3A_78] : memref<1024xi32, #tpu.memory_space<vmem_shared>> -> memref<64xi32, #tpu.memory_space<vmem_shared>>
      %dma_start3A_83 = tpu.memref_slice %arg9[%mul3A_78] : memref<1024xi32, #tpu.memory_space<vmem_shared>> -> memref<64xi32, #tpu.memory_space<vmem_shared>>
      tpu.enqueue_dma source(%arg5 : memref<64xi32, #tpu.memory_space<vmem>>) target(%dma_start3A_83 : memref<64xi32, #tpu.memory_space<vmem_shared>>) target_semaphore(%run_scoped3A : memref<!tpu.dma_semaphore, #tpu.memory_space<semaphore_mem>>)
      %dma_wait3A = tpu.memref_slice %arg9[%mul3A_78] : memref<1024xi32, #tpu.memory_space<vmem_shared>> -> memref<64xi32, #tpu.memory_space<vmem_shared>>
      %dma_wait3A_84 = tpu.memref_slice %arg9[%mul3A_78] : memref<1024xi32, #tpu.memory_space<vmem_shared>> -> memref<64xi32, #tpu.memory_space<vmem_shared>>
      tpu.wait_dma2 semaphore(%run_scoped3A : memref<!tpu.dma_semaphore, #tpu.memory_space<semaphore_mem>>) src(%arg5 : memref<64xi32, #tpu.memory_space<vmem>>) dst(%dma_wait3A_84 : memref<64xi32, #tpu.memory_space<vmem_shared>>)
      tpu.yield
    }) : () -> ()
    %mul3A_79 = arith.constant 64 : i32
    %mul3A_80 = arith.muli %arg1, %mul3A_79 : i32
    "tpu.region"() ({
      %run_scoped3A = tpu.sem_alloc : memref<!tpu.dma_semaphore, #tpu.memory_space<semaphore_mem>>
      %dma_start3A = tpu.memref_slice %arg8[%mul3A_80] : memref<1024xf32, #tpu.memory_space<vmem_shared>> -> memref<64xf32, #tpu.memory_space<vmem_shared>>
      %dma_start3A_83 = tpu.memref_slice %arg8[%mul3A_80] : memref<1024xf32, #tpu.memory_space<vmem_shared>> -> memref<64xf32, #tpu.memory_space<vmem_shared>>
      tpu.enqueue_dma source(%arg6 : memref<64xf32, #tpu.memory_space<vmem>>) target(%dma_start3A_83 : memref<64xf32, #tpu.memory_space<vmem_shared>>) target_semaphore(%run_scoped3A : memref<!tpu.dma_semaphore, #tpu.memory_space<semaphore_mem>>)
      %dma_wait3A = tpu.memref_slice %arg8[%mul3A_80] : memref<1024xf32, #tpu.memory_space<vmem_shared>> -> memref<64xf32, #tpu.memory_space<vmem_shared>>
      %dma_wait3A_84 = tpu.memref_slice %arg8[%mul3A_80] : memref<1024xf32, #tpu.memory_space<vmem_shared>> -> memref<64xf32, #tpu.memory_space<vmem_shared>>
      tpu.wait_dma2 semaphore(%run_scoped3A : memref<!tpu.dma_semaphore, #tpu.memory_space<semaphore_mem>>) src(%arg6 : memref<64xf32, #tpu.memory_space<vmem>>) dst(%dma_wait3A_84 : memref<64xf32, #tpu.memory_space<vmem_shared>>)
      tpu.yield
    }) : () -> ()
    %barrier3A = arith.constant 0 : index
    tpu.barrier barrier_id(%barrier3A)
    %eq3A = arith.constant 0 : i32
    %eq3A_81 = arith.cmpi eq, %rem3A_18, %eq3A : i32
    %convert_element_type3A = arith.extui %eq3A_81 : i1 to i32
    %cond3A = arith.constant 0 : i32
    %cond3A_82 = arith.cmpi ne, %convert_element_type3A, %cond3A : i32
    scf.if %cond3A_82 {
      %add3A_83 = arith.constant 1 : i32
      %add3A_84 = arith.addi %arg1, %add3A_83 : i32
      %mul3A_85 = arith.constant 64 : i32
      %mul3A_86 = arith.muli %add3A_84, %mul3A_85 : i32
      "tpu.region"() ({
        %run_scoped3A = tpu.sem_alloc : memref<!tpu.dma_semaphore, #tpu.memory_space<semaphore_mem>>
        %dma_start3A = tpu.memref_slice %arg8[%mul3A_86] : memref<1024xf32, #tpu.memory_space<vmem_shared>> -> memref<64xf32, #tpu.memory_space<vmem_shared>>
        %dma_start3A_661 = tpu.memref_slice %arg8[%mul3A_86] : memref<1024xf32, #tpu.memory_space<vmem_shared>> -> memref<64xf32, #tpu.memory_space<vmem_shared>>
        tpu.enqueue_dma source(%dma_start3A_661 : memref<64xf32, #tpu.memory_space<vmem_shared>>) target(%arg6 : memref<64xf32, #tpu.memory_space<vmem>>) target_semaphore(%run_scoped3A : memref<!tpu.dma_semaphore, #tpu.memory_space<semaphore_mem>>)
        %dma_wait3A = tpu.memref_slice %arg8[%mul3A_86] : memref<1024xf32, #tpu.memory_space<vmem_shared>> -> memref<64xf32, #tpu.memory_space<vmem_shared>>
        %dma_wait3A_662 = tpu.memref_slice %arg8[%mul3A_86] : memref<1024xf32, #tpu.memory_space<vmem_shared>> -> memref<64xf32, #tpu.memory_space<vmem_shared>>
        tpu.wait_dma2 semaphore(%run_scoped3A : memref<!tpu.dma_semaphore, #tpu.memory_space<semaphore_mem>>) src(%dma_wait3A_662 : memref<64xf32, #tpu.memory_space<vmem_shared>>) dst(%arg6 : memref<64xf32, #tpu.memory_space<vmem>>)
        tpu.yield
      }) : () -> ()
      %add3A_87 = arith.constant 1 : i32
      %add3A_88 = arith.addi %arg1, %add3A_87 : i32
      %mul3A_89 = arith.constant 64 : i32
      %mul3A_90 = arith.muli %add3A_88, %mul3A_89 : i32
      "tpu.region"() ({
        %run_scoped3A = tpu.sem_alloc : memref<!tpu.dma_semaphore, #tpu.memory_space<semaphore_mem>>
        %dma_start3A = tpu.memref_slice %arg9[%mul3A_90] : memref<1024xi32, #tpu.memory_space<vmem_shared>> -> memref<64xi32, #tpu.memory_space<vmem_shared>>
        %dma_start3A_661 = tpu.memref_slice %arg9[%mul3A_90] : memref<1024xi32, #tpu.memory_space<vmem_shared>> -> memref<64xi32, #tpu.memory_space<vmem_shared>>
        tpu.enqueue_dma source(%dma_start3A_661 : memref<64xi32, #tpu.memory_space<vmem_shared>>) target(%arg7 : memref<64xi32, #tpu.memory_space<vmem>>) target_semaphore(%run_scoped3A : memref<!tpu.dma_semaphore, #tpu.memory_space<semaphore_mem>>)
        %dma_wait3A = tpu.memref_slice %arg9[%mul3A_90] : memref<1024xi32, #tpu.memory_space<vmem_shared>> -> memref<64xi32, #tpu.memory_space<vmem_shared>>
        %dma_wait3A_662 = tpu.memref_slice %arg9[%mul3A_90] : memref<1024xi32, #tpu.memory_space<vmem_shared>> -> memref<64xi32, #tpu.memory_space<vmem_shared>>
        tpu.wait_dma2 semaphore(%run_scoped3A : memref<!tpu.dma_semaphore, #tpu.memory_space<semaphore_mem>>) src(%dma_wait3A_662 : memref<64xi32, #tpu.memory_space<vmem_shared>>) dst(%arg7 : memref<64xi32, #tpu.memory_space<vmem>>)
        tpu.yield
      }) : () -> ()
      %get3A = arith.constant 0 : index
      %get3A_91 = tpu.vector_load %arg6[%get3A] {strides = array<i32>} : memref<64xf32, #tpu.memory_space<vmem>>, vector<16xf32>,
      %get3A_92 = arith.constant 16 : index
      %get3A_93 = tpu.vector_load %arg6[%get3A_92] {strides = array<i32>} : memref<64xf32, #tpu.memory_space<vmem>>, vector<16xf32>,
      %get3A_94 = arith.constant 32 : index
      %get3A_95 = tpu.vector_load %arg6[%get3A_94] {strides = array<i32>} : memref<64xf32, #tpu.memory_space<vmem>>, vector<16xf32>,
      %get3A_96 = arith.constant 48 : index
      %get3A_97 = tpu.vector_load %arg6[%get3A_96] {strides = array<i32>} : memref<64xf32, #tpu.memory_space<vmem>>, vector<16xf32>,
      %get3A_98 = arith.constant 0 : index
      %get3A_99 = tpu.vector_load %arg7[%get3A_98] {strides = array<i32>} : memref<64xi32, #tpu.memory_space<vmem>>, vector<16xi32>,
      %get3A_100 = arith.constant 16 : index
      %get3A_101 = tpu.vector_load %arg7[%get3A_100] {strides = array<i32>} : memref<64xi32, #tpu.memory_space<vmem>>, vector<16xi32>,
      %get3A_102 = arith.constant 32 : index
      %get3A_103 = tpu.vector_load %arg7[%get3A_102] {strides = array<i32>} : memref<64xi32, #tpu.memory_space<vmem>>, vector<16xi32>,
      %get3A_104 = arith.constant 48 : index
      %get3A_105 = tpu.vector_load %arg7[%get3A_104] {strides = array<i32>} : memref<64xi32, #tpu.memory_space<vmem>>, vector<16xi32>,
      %rev3A = arith.constant 15 : i32
      %rev3A_106 = vector.broadcast %rev3A : i32 to vector<16xi32>
      %rev3A_107 = tpu.iota {dimensions = array<i32: 0>} : vector<16xi32>
      %rev3A_108 = arith.subi %rev3A_106, %rev3A_107 : vector<16xi32>
      %rev3A_109 = tpu.dynamic_gather %get3A_97[%rev3A_108] in [0] : vector<16xf32>, vector<16xi32> -> vector<16xf32>
      %rev3A_110 = arith.constant 15 : i32
      %rev3A_111 = vector.broadcast %rev3A_110 : i32 to vector<16xi32>
      %rev3A_112 = tpu.iota {dimensions = array<i32: 0>} : vector<16xi32>
      %rev3A_113 = arith.subi %rev3A_111, %rev3A_112 : vector<16xi32>
      %rev3A_114 = tpu.dynamic_gather %get3A_105[%rev3A_113] in [0] : vector<16xi32>, vector<16xi32> -> vector<16xi32>
      %gt3A = arith.cmpf ogt, %scan3A_52#6, %rev3A_109 : vector<16xf32>
      %eq3A_115 = arith.cmpf oeq, %scan3A_52#6, %rev3A_109 : vector<16xf32>
      %lt3A = arith.cmpi slt, %add3A_55, %rev3A_114 : vector<16xi32>
      %and3A_116 = arith.andi %eq3A_115, %lt3A : vector<16xi1>
      %or3A = arith.ori %gt3A, %and3A_116 : vector<16xi1>
      %select_n3A_117 = arith.select %or3A, %scan3A_52#6, %rev3A_109 : vector<16xi1>, vector<16xf32>
      %select_n3A_118 = arith.select %or3A, %add3A_55, %rev3A_114 : vector<16xi1>, vector<16xi32>
      %rev3A_119 = arith.constant 15 : i32
      %rev3A_120 = vector.broadcast %rev3A_119 : i32 to vector<16xi32>
      %rev3A_121 = tpu.iota {dimensions = array<i32: 0>} : vector<16xi32>
      %rev3A_122 = arith.subi %rev3A_120, %rev3A_121 : vector<16xi32>
      %rev3A_123 = tpu.dynamic_gather %get3A_95[%rev3A_122] in [0] : vector<16xf32>, vector<16xi32> -> vector<16xf32>
      %rev3A_124 = arith.constant 15 : i32
      %rev3A_125 = vector.broadcast %rev3A_124 : i32 to vector<16xi32>
      %rev3A_126 = tpu.iota {dimensions = array<i32: 0>} : vector<16xi32>
      %rev3A_127 = arith.subi %rev3A_125, %rev3A_126 : vector<16xi32>
      %rev3A_128 = tpu.dynamic_gather %get3A_103[%rev3A_127] in [0] : vector<16xi32>, vector<16xi32> -> vector<16xi32>
      %gt3A_129 = arith.cmpf ogt, %scan3A_52#7, %rev3A_123 : vector<16xf32>
      %eq3A_130 = arith.cmpf oeq, %scan3A_52#7, %rev3A_123 : vector<16xf32>
      %lt3A_131 = arith.cmpi slt, %add3A_57, %rev3A_128 : vector<16xi32>
      %and3A_132 = arith.andi %eq3A_130, %lt3A_131 : vector<16xi1>
      %or3A_133 = arith.ori %gt3A_129, %and3A_132 : vector<16xi1>
      %select_n3A_134 = arith.select %or3A_133, %scan3A_52#7, %rev3A_123 : vector<16xi1>, vector<16xf32>
      %select_n3A_135 = arith.select %or3A_133, %add3A_57, %rev3A_128 : vector<16xi1>, vector<16xi32>
      %rev3A_136 = arith.constant 15 : i32
      %rev3A_137 = vector.broadcast %rev3A_136 : i32 to vector<16xi32>
      %rev3A_138 = tpu.iota {dimensions = array<i32: 0>} : vector<16xi32>
      %rev3A_139 = arith.subi %rev3A_137, %rev3A_138 : vector<16xi32>
      %rev3A_140 = tpu.dynamic_gather %get3A_93[%rev3A_139] in [0] : vector<16xf32>, vector<16xi32> -> vector<16xf32>
      %rev3A_141 = arith.constant 15 : i32
      %rev3A_142 = vector.broadcast %rev3A_141 : i32 to vector<16xi32>
      %rev3A_143 = tpu.iota {dimensions = array<i32: 0>} : vector<16xi32>
      %rev3A_144 = arith.subi %rev3A_142, %rev3A_143 : vector<16xi32>
      %rev3A_145 = tpu.dynamic_gather %get3A_101[%rev3A_144] in [0] : vector<16xi32>, vector<16xi32> -> vector<16xi32>
      %gt3A_146 = arith.cmpf ogt, %scan3A_52#8, %rev3A_140 : vector<16xf32>
      %eq3A_147 = arith.cmpf oeq, %scan3A_52#8, %rev3A_140 : vector<16xf32>
      %lt3A_148 = arith.cmpi slt, %add3A_59, %rev3A_145 : vector<16xi32>
      %and3A_149 = arith.andi %eq3A_147, %lt3A_148 : vector<16xi1>
      %or3A_150 = arith.ori %gt3A_146, %and3A_149 : vector<16xi1>
      %select_n3A_151 = arith.select %or3A_150, %scan3A_52#8, %rev3A_140 : vector<16xi1>, vector<16xf32>
      %select_n3A_152 = arith.select %or3A_150, %add3A_59, %rev3A_145 : vector<16xi1>, vector<16xi32>
      %rev3A_153 = arith.constant 15 : i32
      %rev3A_154 = vector.broadcast %rev3A_153 : i32 to vector<16xi32>
      %rev3A_155 = tpu.iota {dimensions = array<i32: 0>} : vector<16xi32>
      %rev3A_156 = arith.subi %rev3A_154, %rev3A_155 : vector<16xi32>
      %rev3A_157 = tpu.dynamic_gather %get3A_91[%rev3A_156] in [0] : vector<16xf32>, vector<16xi32> -> vector<16xf32>
      %rev3A_158 = arith.constant 15 : i32
      %rev3A_159 = vector.broadcast %rev3A_158 : i32 to vector<16xi32>
      %rev3A_160 = tpu.iota {dimensions = array<i32: 0>} : vector<16xi32>
      %rev3A_161 = arith.subi %rev3A_159, %rev3A_160 : vector<16xi32>
      %rev3A_162 = tpu.dynamic_gather %get3A_99[%rev3A_161] in [0] : vector<16xi32>, vector<16xi32> -> vector<16xi32>
      %gt3A_163 = arith.cmpf ogt, %scan3A_52#9, %rev3A_157 : vector<16xf32>
      %eq3A_164 = arith.cmpf oeq, %scan3A_52#9, %rev3A_157 : vector<16xf32>
      %lt3A_165 = arith.cmpi slt, %add3A_61, %rev3A_162 : vector<16xi32>
      %and3A_166 = arith.andi %eq3A_164, %lt3A_165 : vector<16xi1>
      %or3A_167 = arith.ori %gt3A_163, %and3A_166 : vector<16xi1>
      %select_n3A_168 = arith.select %or3A_167, %scan3A_52#9, %rev3A_157 : vector<16xi1>, vector<16xf32>
      %select_n3A_169 = arith.select %or3A_167, %add3A_61, %rev3A_162 : vector<16xi1>, vector<16xi32>
      %gt3A_170 = arith.cmpf ogt, %select_n3A_117, %select_n3A_151 : vector<16xf32>
      %eq3A_171 = arith.cmpf oeq, %select_n3A_117, %select_n3A_151 : vector<16xf32>
      %lt3A_172 = arith.cmpi slt, %select_n3A_118, %select_n3A_152 : vector<16xi32>
      %and3A_173 = arith.andi %eq3A_171, %lt3A_172 : vector<16xi1>
      %or3A_174 = arith.ori %gt3A_170, %and3A_173 : vector<16xi1>
      %select_n3A_175 = arith.select %or3A_174, %select_n3A_117, %select_n3A_151 : vector<16xi1>, vector<16xf32>
      %select_n3A_176 = arith.select %or3A_174, %select_n3A_118, %select_n3A_152 : vector<16xi1>, vector<16xi32>
      %select_n3A_177 = arith.select %or3A_174, %select_n3A_151, %select_n3A_117 : vector<16xi1>, vector<16xf32>
      %select_n3A_178 = arith.select %or3A_174, %select_n3A_152, %select_n3A_118 : vector<16xi1>, vector<16xi32>
      %gt3A_179 = arith.cmpf ogt, %select_n3A_134, %select_n3A_168 : vector<16xf32>
      %eq3A_180 = arith.cmpf oeq, %select_n3A_134, %select_n3A_168 : vector<16xf32>
      %lt3A_181 = arith.cmpi slt, %select_n3A_135, %select_n3A_169 : vector<16xi32>
      %and3A_182 = arith.andi %eq3A_180, %lt3A_181 : vector<16xi1>
      %or3A_183 = arith.ori %gt3A_179, %and3A_182 : vector<16xi1>
      %select_n3A_184 = arith.select %or3A_183, %select_n3A_134, %select_n3A_168 : vector<16xi1>, vector<16xf32>
      %select_n3A_185 = arith.select %or3A_183, %select_n3A_135, %select_n3A_169 : vector<16xi1>, vector<16xi32>
      %select_n3A_186 = arith.select %or3A_183, %select_n3A_168, %select_n3A_134 : vector<16xi1>, vector<16xf32>
      %select_n3A_187 = arith.select %or3A_183, %select_n3A_169, %select_n3A_135 : vector<16xi1>, vector<16xi32>
      %gt3A_188 = arith.cmpf ogt, %select_n3A_175, %select_n3A_184 : vector<16xf32>
      %eq3A_189 = arith.cmpf oeq, %select_n3A_175, %select_n3A_184 : vector<16xf32>
      %lt3A_190 = arith.cmpi slt, %select_n3A_176, %select_n3A_185 : vector<16xi32>
      %and3A_191 = arith.andi %eq3A_189, %lt3A_190 : vector<16xi1>
      %or3A_192 = arith.ori %gt3A_188, %and3A_191 : vector<16xi1>
      %select_n3A_193 = arith.select %or3A_192, %select_n3A_175, %select_n3A_184 : vector<16xi1>, vector<16xf32>
      %select_n3A_194 = arith.select %or3A_192, %select_n3A_176, %select_n3A_185 : vector<16xi1>, vector<16xi32>
      %select_n3A_195 = arith.select %or3A_192, %select_n3A_184, %select_n3A_175 : vector<16xi1>, vector<16xf32>
      %select_n3A_196 = arith.select %or3A_192, %select_n3A_185, %select_n3A_176 : vector<16xi1>, vector<16xi32>
      %gt3A_197 = arith.cmpf ogt, %select_n3A_177, %select_n3A_186 : vector<16xf32>
      %eq3A_198 = arith.cmpf oeq, %select_n3A_177, %select_n3A_186 : vector<16xf32>
      %lt3A_199 = arith.cmpi slt, %select_n3A_178, %select_n3A_187 : vector<16xi32>
      %and3A_200 = arith.andi %eq3A_198, %lt3A_199 : vector<16xi1>
      %or3A_201 = arith.ori %gt3A_197, %and3A_200 : vector<16xi1>
      %select_n3A_202 = arith.select %or3A_201, %select_n3A_177, %select_n3A_186 : vector<16xi1>, vector<16xf32>
      %select_n3A_203 = arith.select %or3A_201, %select_n3A_178, %select_n3A_187 : vector<16xi1>, vector<16xi32>
      %select_n3A_204 = arith.select %or3A_201, %select_n3A_186, %select_n3A_177 : vector<16xi1>, vector<16xf32>
      %select_n3A_205 = arith.select %or3A_201, %select_n3A_187, %select_n3A_178 : vector<16xi1>, vector<16xi32>
      %xor3A = arith.constant 8 : i32
      %xor3A_206 = vector.broadcast %xor3A : i32 to vector<16xi32>
      %xor3A_207 = arith.xori %iota3A, %xor3A_206 : vector<16xi32>
      %broadcast_in_dim3A_208 = vector.shape_cast %xor3A_207 : vector<16xi32> to vector<16x1xi32>
      %gather3A = vector.shape_cast %broadcast_in_dim3A_208 : vector<16x1xi32> to vector<16xi32>
      %gather3A_209 = tpu.dynamic_gather %select_n3A_193[%gather3A] in [0] : vector<16xf32>, vector<16xi32> -> vector<16xf32>
      %xor3A_210 = arith.constant 8 : i32
      %xor3A_211 = vector.broadcast %xor3A_210 : i32 to vector<16xi32>
      %xor3A_212 = arith.xori %iota3A, %xor3A_211 : vector<16xi32>
      %broadcast_in_dim3A_213 = vector.shape_cast %xor3A_212 : vector<16xi32> to vector<16x1xi32>
      %gather3A_214 = vector.shape_cast %broadcast_in_dim3A_213 : vector<16x1xi32> to vector<16xi32>
      %gather3A_215 = tpu.dynamic_gather %select_n3A_194[%gather3A_214] in [0] : vector<16xi32>, vector<16xi32> -> vector<16xi32>
      %gt3A_216 = arith.cmpf ogt, %select_n3A_193, %gather3A_209 : vector<16xf32>
      %eq3A_217 = arith.cmpf oeq, %select_n3A_193, %gather3A_209 : vector<16xf32>
      %lt3A_218 = arith.cmpi slt, %select_n3A_194, %gather3A_215 : vector<16xi32>
      %and3A_219 = arith.andi %eq3A_217, %lt3A_218 : vector<16xi1>
      %or3A_220 = arith.ori %gt3A_216, %and3A_219 : vector<16xi1>
      %and3A_221 = arith.constant 8 : i32
      %and3A_222 = vector.broadcast %and3A_221 : i32 to vector<16xi32>
      %and3A_223 = arith.andi %iota3A, %and3A_222 : vector<16xi32>
      %eq3A_224 = arith.constant 0 : i32
      %eq3A_225 = vector.broadcast %eq3A_224 : i32 to vector<16xi32>
      %eq3A_226 = arith.cmpi eq, %and3A_223, %eq3A_225 : vector<16xi32>
      %not3A = arith.constant dense<true> : vector<16xi1>
      %not3A_227 = arith.xori %eq3A_226, %not3A : vector<16xi1>
      %xor3A_228 = arith.xori %or3A_220, %not3A_227 : vector<16xi1>
      %select_n3A_229 = arith.select %xor3A_228, %select_n3A_193, %gather3A_209 : vector<16xi1>, vector<16xf32>
      %select_n3A_230 = arith.select %xor3A_228, %select_n3A_194, %gather3A_215 : vector<16xi1>, vector<16xi32>
      %xor3A_231 = arith.constant 8 : i32
      %xor3A_232 = vector.broadcast %xor3A_231 : i32 to vector<16xi32>
      %xor3A_233 = arith.xori %iota3A, %xor3A_232 : vector<16xi32>
      %broadcast_in_dim3A_234 = vector.shape_cast %xor3A_233 : vector<16xi32> to vector<16x1xi32>
      %gather3A_235 = vector.shape_cast %broadcast_in_dim3A_234 : vector<16x1xi32> to vector<16xi32>
      %gather3A_236 = tpu.dynamic_gather %select_n3A_195[%gather3A_235] in [0] : vector<16xf32>, vector<16xi32> -> vector<16xf32>
      %xor3A_237 = arith.constant 8 : i32
      %xor3A_238 = vector.broadcast %xor3A_237 : i32 to vector<16xi32>
      %xor3A_239 = arith.xori %iota3A, %xor3A_238 : vector<16xi32>
      %broadcast_in_dim3A_240 = vector.shape_cast %xor3A_239 : vector<16xi32> to vector<16x1xi32>
      %gather3A_241 = vector.shape_cast %broadcast_in_dim3A_240 : vector<16x1xi32> to vector<16xi32>
      %gather3A_242 = tpu.dynamic_gather %select_n3A_196[%gather3A_241] in [0] : vector<16xi32>, vector<16xi32> -> vector<16xi32>
      %gt3A_243 = arith.cmpf ogt, %select_n3A_195, %gather3A_236 : vector<16xf32>
      %eq3A_244 = arith.cmpf oeq, %select_n3A_195, %gather3A_236 : vector<16xf32>
      %lt3A_245 = arith.cmpi slt, %select_n3A_196, %gather3A_242 : vector<16xi32>
      %and3A_246 = arith.andi %eq3A_244, %lt3A_245 : vector<16xi1>
      %or3A_247 = arith.ori %gt3A_243, %and3A_246 : vector<16xi1>
      %and3A_248 = arith.constant 8 : i32
      %and3A_249 = vector.broadcast %and3A_248 : i32 to vector<16xi32>
      %and3A_250 = arith.andi %iota3A, %and3A_249 : vector<16xi32>
      %eq3A_251 = arith.constant 0 : i32
      %eq3A_252 = vector.broadcast %eq3A_251 : i32 to vector<16xi32>
      %eq3A_253 = arith.cmpi eq, %and3A_250, %eq3A_252 : vector<16xi32>
      %not3A_254 = arith.constant dense<true> : vector<16xi1>
      %not3A_255 = arith.xori %eq3A_253, %not3A_254 : vector<16xi1>
      %xor3A_256 = arith.xori %or3A_247, %not3A_255 : vector<16xi1>
      %select_n3A_257 = arith.select %xor3A_256, %select_n3A_195, %gather3A_236 : vector<16xi1>, vector<16xf32>
      %select_n3A_258 = arith.select %xor3A_256, %select_n3A_196, %gather3A_242 : vector<16xi1>, vector<16xi32>
      %xor3A_259 = arith.constant 8 : i32
      %xor3A_260 = vector.broadcast %xor3A_259 : i32 to vector<16xi32>
      %xor3A_261 = arith.xori %iota3A, %xor3A_260 : vector<16xi32>
      %broadcast_in_dim3A_262 = vector.shape_cast %xor3A_261 : vector<16xi32> to vector<16x1xi32>
      %gather3A_263 = vector.shape_cast %broadcast_in_dim3A_262 : vector<16x1xi32> to vector<16xi32>
      %gather3A_264 = tpu.dynamic_gather %select_n3A_202[%gather3A_263] in [0] : vector<16xf32>, vector<16xi32> -> vector<16xf32>
      %xor3A_265 = arith.constant 8 : i32
      %xor3A_266 = vector.broadcast %xor3A_265 : i32 to vector<16xi32>
      %xor3A_267 = arith.xori %iota3A, %xor3A_266 : vector<16xi32>
      %broadcast_in_dim3A_268 = vector.shape_cast %xor3A_267 : vector<16xi32> to vector<16x1xi32>
      %gather3A_269 = vector.shape_cast %broadcast_in_dim3A_268 : vector<16x1xi32> to vector<16xi32>
      %gather3A_270 = tpu.dynamic_gather %select_n3A_203[%gather3A_269] in [0] : vector<16xi32>, vector<16xi32> -> vector<16xi32>
      %gt3A_271 = arith.cmpf ogt, %select_n3A_202, %gather3A_264 : vector<16xf32>
      %eq3A_272 = arith.cmpf oeq, %select_n3A_202, %gather3A_264 : vector<16xf32>
      %lt3A_273 = arith.cmpi slt, %select_n3A_203, %gather3A_270 : vector<16xi32>
      %and3A_274 = arith.andi %eq3A_272, %lt3A_273 : vector<16xi1>
      %or3A_275 = arith.ori %gt3A_271, %and3A_274 : vector<16xi1>
      %and3A_276 = arith.constant 8 : i32
      %and3A_277 = vector.broadcast %and3A_276 : i32 to vector<16xi32>
      %and3A_278 = arith.andi %iota3A, %and3A_277 : vector<16xi32>
      %eq3A_279 = arith.constant 0 : i32
      %eq3A_280 = vector.broadcast %eq3A_279 : i32 to vector<16xi32>
      %eq3A_281 = arith.cmpi eq, %and3A_278, %eq3A_280 : vector<16xi32>
      %not3A_282 = arith.constant dense<true> : vector<16xi1>
      %not3A_283 = arith.xori %eq3A_281, %not3A_282 : vector<16xi1>
      %xor3A_284 = arith.xori %or3A_275, %not3A_283 : vector<16xi1>
      %select_n3A_285 = arith.select %xor3A_284, %select_n3A_202, %gather3A_264 : vector<16xi1>, vector<16xf32>
      %select_n3A_286 = arith.select %xor3A_284, %select_n3A_203, %gather3A_270 : vector<16xi1>, vector<16xi32>
      %xor3A_287 = arith.constant 8 : i32
      %xor3A_288 = vector.broadcast %xor3A_287 : i32 to vector<16xi32>
      %xor3A_289 = arith.xori %iota3A, %xor3A_288 : vector<16xi32>
      %broadcast_in_dim3A_290 = vector.shape_cast %xor3A_289 : vector<16xi32> to vector<16x1xi32>
      %gather3A_291 = vector.shape_cast %broadcast_in_dim3A_290 : vector<16x1xi32> to vector<16xi32>
      %gather3A_292 = tpu.dynamic_gather %select_n3A_204[%gather3A_291] in [0] : vector<16xf32>, vector<16xi32> -> vector<16xf32>
      %xor3A_293 = arith.constant 8 : i32
      %xor3A_294 = vector.broadcast %xor3A_293 : i32 to vector<16xi32>
      %xor3A_295 = arith.xori %iota3A, %xor3A_294 : vector<16xi32>
      %broadcast_in_dim3A_296 = vector.shape_cast %xor3A_295 : vector<16xi32> to vector<16x1xi32>
      %gather3A_297 = vector.shape_cast %broadcast_in_dim3A_296 : vector<16x1xi32> to vector<16xi32>
      %gather3A_298 = tpu.dynamic_gather %select_n3A_205[%gather3A_297] in [0] : vector<16xi32>, vector<16xi32> -> vector<16xi32>
      %gt3A_299 = arith.cmpf ogt, %select_n3A_204, %gather3A_292 : vector<16xf32>
      %eq3A_300 = arith.cmpf oeq, %select_n3A_204, %gather3A_292 : vector<16xf32>
      %lt3A_301 = arith.cmpi slt, %select_n3A_205, %gather3A_298 : vector<16xi32>
      %and3A_302 = arith.andi %eq3A_300, %lt3A_301 : vector<16xi1>
      %or3A_303 = arith.ori %gt3A_299, %and3A_302 : vector<16xi1>
      %and3A_304 = arith.constant 8 : i32
      %and3A_305 = vector.broadcast %and3A_304 : i32 to vector<16xi32>
      %and3A_306 = arith.andi %iota3A, %and3A_305 : vector<16xi32>
      %eq3A_307 = arith.constant 0 : i32
      %eq3A_308 = vector.broadcast %eq3A_307 : i32 to vector<16xi32>
      %eq3A_309 = arith.cmpi eq, %and3A_306, %eq3A_308 : vector<16xi32>
      %not3A_310 = arith.constant dense<true> : vector<16xi1>
      %not3A_311 = arith.xori %eq3A_309, %not3A_310 : vector<16xi1>
      %xor3A_312 = arith.xori %or3A_303, %not3A_311 : vector<16xi1>
      %select_n3A_313 = arith.select %xor3A_312, %select_n3A_204, %gather3A_292 : vector<16xi1>, vector<16xf32>
      %select_n3A_314 = arith.select %xor3A_312, %select_n3A_205, %gather3A_298 : vector<16xi1>, vector<16xi32>
      %xor3A_315 = arith.constant 4 : i32
      %xor3A_316 = vector.broadcast %xor3A_315 : i32 to vector<16xi32>
      %xor3A_317 = arith.xori %iota3A, %xor3A_316 : vector<16xi32>
      %broadcast_in_dim3A_318 = vector.shape_cast %xor3A_317 : vector<16xi32> to vector<16x1xi32>
      %gather3A_319 = vector.shape_cast %broadcast_in_dim3A_318 : vector<16x1xi32> to vector<16xi32>
      %gather3A_320 = tpu.dynamic_gather %select_n3A_229[%gather3A_319] in [0] : vector<16xf32>, vector<16xi32> -> vector<16xf32>
      %xor3A_321 = arith.constant 4 : i32
      %xor3A_322 = vector.broadcast %xor3A_321 : i32 to vector<16xi32>
      %xor3A_323 = arith.xori %iota3A, %xor3A_322 : vector<16xi32>
      %broadcast_in_dim3A_324 = vector.shape_cast %xor3A_323 : vector<16xi32> to vector<16x1xi32>
      %gather3A_325 = vector.shape_cast %broadcast_in_dim3A_324 : vector<16x1xi32> to vector<16xi32>
      %gather3A_326 = tpu.dynamic_gather %select_n3A_230[%gather3A_325] in [0] : vector<16xi32>, vector<16xi32> -> vector<16xi32>
      %gt3A_327 = arith.cmpf ogt, %select_n3A_229, %gather3A_320 : vector<16xf32>
      %eq3A_328 = arith.cmpf oeq, %select_n3A_229, %gather3A_320 : vector<16xf32>
      %lt3A_329 = arith.cmpi slt, %select_n3A_230, %gather3A_326 : vector<16xi32>
      %and3A_330 = arith.andi %eq3A_328, %lt3A_329 : vector<16xi1>
      %or3A_331 = arith.ori %gt3A_327, %and3A_330 : vector<16xi1>
      %and3A_332 = arith.constant 4 : i32
      %and3A_333 = vector.broadcast %and3A_332 : i32 to vector<16xi32>
      %and3A_334 = arith.andi %iota3A, %and3A_333 : vector<16xi32>
      %eq3A_335 = arith.constant 0 : i32
      %eq3A_336 = vector.broadcast %eq3A_335 : i32 to vector<16xi32>
      %eq3A_337 = arith.cmpi eq, %and3A_334, %eq3A_336 : vector<16xi32>
      %not3A_338 = arith.constant dense<true> : vector<16xi1>
      %not3A_339 = arith.xori %eq3A_337, %not3A_338 : vector<16xi1>
      %xor3A_340 = arith.xori %or3A_331, %not3A_339 : vector<16xi1>
      %select_n3A_341 = arith.select %xor3A_340, %select_n3A_229, %gather3A_320 : vector<16xi1>, vector<16xf32>
      %select_n3A_342 = arith.select %xor3A_340, %select_n3A_230, %gather3A_326 : vector<16xi1>, vector<16xi32>
      %xor3A_343 = arith.constant 4 : i32
      %xor3A_344 = vector.broadcast %xor3A_343 : i32 to vector<16xi32>
      %xor3A_345 = arith.xori %iota3A, %xor3A_344 : vector<16xi32>
      %broadcast_in_dim3A_346 = vector.shape_cast %xor3A_345 : vector<16xi32> to vector<16x1xi32>
      %gather3A_347 = vector.shape_cast %broadcast_in_dim3A_346 : vector<16x1xi32> to vector<16xi32>
      %gather3A_348 = tpu.dynamic_gather %select_n3A_257[%gather3A_347] in [0] : vector<16xf32>, vector<16xi32> -> vector<16xf32>
      %xor3A_349 = arith.constant 4 : i32
      %xor3A_350 = vector.broadcast %xor3A_349 : i32 to vector<16xi32>
      %xor3A_351 = arith.xori %iota3A, %xor3A_350 : vector<16xi32>
      %broadcast_in_dim3A_352 = vector.shape_cast %xor3A_351 : vector<16xi32> to vector<16x1xi32>
      %gather3A_353 = vector.shape_cast %broadcast_in_dim3A_352 : vector<16x1xi32> to vector<16xi32>
      %gather3A_354 = tpu.dynamic_gather %select_n3A_258[%gather3A_353] in [0] : vector<16xi32>, vector<16xi32> -> vector<16xi32>
      %gt3A_355 = arith.cmpf ogt, %select_n3A_257, %gather3A_348 : vector<16xf32>
      %eq3A_356 = arith.cmpf oeq, %select_n3A_257, %gather3A_348 : vector<16xf32>
      %lt3A_357 = arith.cmpi slt, %select_n3A_258, %gather3A_354 : vector<16xi32>
      %and3A_358 = arith.andi %eq3A_356, %lt3A_357 : vector<16xi1>
      %or3A_359 = arith.ori %gt3A_355, %and3A_358 : vector<16xi1>
      %and3A_360 = arith.constant 4 : i32
      %and3A_361 = vector.broadcast %and3A_360 : i32 to vector<16xi32>
      %and3A_362 = arith.andi %iota3A, %and3A_361 : vector<16xi32>
      %eq3A_363 = arith.constant 0 : i32
      %eq3A_364 = vector.broadcast %eq3A_363 : i32 to vector<16xi32>
      %eq3A_365 = arith.cmpi eq, %and3A_362, %eq3A_364 : vector<16xi32>
      %not3A_366 = arith.constant dense<true> : vector<16xi1>
      %not3A_367 = arith.xori %eq3A_365, %not3A_366 : vector<16xi1>
      %xor3A_368 = arith.xori %or3A_359, %not3A_367 : vector<16xi1>
      %select_n3A_369 = arith.select %xor3A_368, %select_n3A_257, %gather3A_348 : vector<16xi1>, vector<16xf32>
      %select_n3A_370 = arith.select %xor3A_368, %select_n3A_258, %gather3A_354 : vector<16xi1>, vector<16xi32>
      %xor3A_371 = arith.constant 4 : i32
      %xor3A_372 = vector.broadcast %xor3A_371 : i32 to vector<16xi32>
      %xor3A_373 = arith.xori %iota3A, %xor3A_372 : vector<16xi32>
      %broadcast_in_dim3A_374 = vector.shape_cast %xor3A_373 : vector<16xi32> to vector<16x1xi32>
      %gather3A_375 = vector.shape_cast %broadcast_in_dim3A_374 : vector<16x1xi32> to vector<16xi32>
      %gather3A_376 = tpu.dynamic_gather %select_n3A_285[%gather3A_375] in [0] : vector<16xf32>, vector<16xi32> -> vector<16xf32>
      %xor3A_377 = arith.constant 4 : i32
      %xor3A_378 = vector.broadcast %xor3A_377 : i32 to vector<16xi32>
      %xor3A_379 = arith.xori %iota3A, %xor3A_378 : vector<16xi32>
      %broadcast_in_dim3A_380 = vector.shape_cast %xor3A_379 : vector<16xi32> to vector<16x1xi32>
      %gather3A_381 = vector.shape_cast %broadcast_in_dim3A_380 : vector<16x1xi32> to vector<16xi32>
      %gather3A_382 = tpu.dynamic_gather %select_n3A_286[%gather3A_381] in [0] : vector<16xi32>, vector<16xi32> -> vector<16xi32>
      %gt3A_383 = arith.cmpf ogt, %select_n3A_285, %gather3A_376 : vector<16xf32>
      %eq3A_384 = arith.cmpf oeq, %select_n3A_285, %gather3A_376 : vector<16xf32>
      %lt3A_385 = arith.cmpi slt, %select_n3A_286, %gather3A_382 : vector<16xi32>
      %and3A_386 = arith.andi %eq3A_384, %lt3A_385 : vector<16xi1>
      %or3A_387 = arith.ori %gt3A_383, %and3A_386 : vector<16xi1>
      %and3A_388 = arith.constant 4 : i32
      %and3A_389 = vector.broadcast %and3A_388 : i32 to vector<16xi32>
      %and3A_390 = arith.andi %iota3A, %and3A_389 : vector<16xi32>
      %eq3A_391 = arith.constant 0 : i32
      %eq3A_392 = vector.broadcast %eq3A_391 : i32 to vector<16xi32>
      %eq3A_393 = arith.cmpi eq, %and3A_390, %eq3A_392 : vector<16xi32>
      %not3A_394 = arith.constant dense<true> : vector<16xi1>
      %not3A_395 = arith.xori %eq3A_393, %not3A_394 : vector<16xi1>
      %xor3A_396 = arith.xori %or3A_387, %not3A_395 : vector<16xi1>
      %select_n3A_397 = arith.select %xor3A_396, %select_n3A_285, %gather3A_376 : vector<16xi1>, vector<16xf32>
      %select_n3A_398 = arith.select %xor3A_396, %select_n3A_286, %gather3A_382 : vector<16xi1>, vector<16xi32>
      %xor3A_399 = arith.constant 4 : i32
      %xor3A_400 = vector.broadcast %xor3A_399 : i32 to vector<16xi32>
      %xor3A_401 = arith.xori %iota3A, %xor3A_400 : vector<16xi32>
      %broadcast_in_dim3A_402 = vector.shape_cast %xor3A_401 : vector<16xi32> to vector<16x1xi32>
      %gather3A_403 = vector.shape_cast %broadcast_in_dim3A_402 : vector<16x1xi32> to vector<16xi32>
      %gather3A_404 = tpu.dynamic_gather %select_n3A_313[%gather3A_403] in [0] : vector<16xf32>, vector<16xi32> -> vector<16xf32>
      %xor3A_405 = arith.constant 4 : i32
      %xor3A_406 = vector.broadcast %xor3A_405 : i32 to vector<16xi32>
      %xor3A_407 = arith.xori %iota3A, %xor3A_406 : vector<16xi32>
      %broadcast_in_dim3A_408 = vector.shape_cast %xor3A_407 : vector<16xi32> to vector<16x1xi32>
      %gather3A_409 = vector.shape_cast %broadcast_in_dim3A_408 : vector<16x1xi32> to vector<16xi32>
      %gather3A_410 = tpu.dynamic_gather %select_n3A_314[%gather3A_409] in [0] : vector<16xi32>, vector<16xi32> -> vector<16xi32>
      %gt3A_411 = arith.cmpf ogt, %select_n3A_313, %gather3A_404 : vector<16xf32>
      %eq3A_412 = arith.cmpf oeq, %select_n3A_313, %gather3A_404 : vector<16xf32>
      %lt3A_413 = arith.cmpi slt, %select_n3A_314, %gather3A_410 : vector<16xi32>
      %and3A_414 = arith.andi %eq3A_412, %lt3A_413 : vector<16xi1>
      %or3A_415 = arith.ori %gt3A_411, %and3A_414 : vector<16xi1>
      %and3A_416 = arith.constant 4 : i32
      %and3A_417 = vector.broadcast %and3A_416 : i32 to vector<16xi32>
      %and3A_418 = arith.andi %iota3A, %and3A_417 : vector<16xi32>
      %eq3A_419 = arith.constant 0 : i32
      %eq3A_420 = vector.broadcast %eq3A_419 : i32 to vector<16xi32>
      %eq3A_421 = arith.cmpi eq, %and3A_418, %eq3A_420 : vector<16xi32>
      %not3A_422 = arith.constant dense<true> : vector<16xi1>
      %not3A_423 = arith.xori %eq3A_421, %not3A_422 : vector<16xi1>
      %xor3A_424 = arith.xori %or3A_415, %not3A_423 : vector<16xi1>
      %select_n3A_425 = arith.select %xor3A_424, %select_n3A_313, %gather3A_404 : vector<16xi1>, vector<16xf32>
      %select_n3A_426 = arith.select %xor3A_424, %select_n3A_314, %gather3A_410 : vector<16xi1>, vector<16xi32>
      %xor3A_427 = arith.constant 2 : i32
      %xor3A_428 = vector.broadcast %xor3A_427 : i32 to vector<16xi32>
      %xor3A_429 = arith.xori %iota3A, %xor3A_428 : vector<16xi32>
      %broadcast_in_dim3A_430 = vector.shape_cast %xor3A_429 : vector<16xi32> to vector<16x1xi32>
      %gather3A_431 = vector.shape_cast %broadcast_in_dim3A_430 : vector<16x1xi32> to vector<16xi32>
      %gather3A_432 = tpu.dynamic_gather %select_n3A_341[%gather3A_431] in [0] : vector<16xf32>, vector<16xi32> -> vector<16xf32>
      %xor3A_433 = arith.constant 2 : i32
      %xor3A_434 = vector.broadcast %xor3A_433 : i32 to vector<16xi32>
      %xor3A_435 = arith.xori %iota3A, %xor3A_434 : vector<16xi32>
      %broadcast_in_dim3A_436 = vector.shape_cast %xor3A_435 : vector<16xi32> to vector<16x1xi32>
      %gather3A_437 = vector.shape_cast %broadcast_in_dim3A_436 : vector<16x1xi32> to vector<16xi32>
      %gather3A_438 = tpu.dynamic_gather %select_n3A_342[%gather3A_437] in [0] : vector<16xi32>, vector<16xi32> -> vector<16xi32>
      %gt3A_439 = arith.cmpf ogt, %select_n3A_341, %gather3A_432 : vector<16xf32>
      %eq3A_440 = arith.cmpf oeq, %select_n3A_341, %gather3A_432 : vector<16xf32>
      %lt3A_441 = arith.cmpi slt, %select_n3A_342, %gather3A_438 : vector<16xi32>
      %and3A_442 = arith.andi %eq3A_440, %lt3A_441 : vector<16xi1>
      %or3A_443 = arith.ori %gt3A_439, %and3A_442 : vector<16xi1>
      %and3A_444 = arith.constant 2 : i32
      %and3A_445 = vector.broadcast %and3A_444 : i32 to vector<16xi32>
      %and3A_446 = arith.andi %iota3A, %and3A_445 : vector<16xi32>
      %eq3A_447 = arith.constant 0 : i32
      %eq3A_448 = vector.broadcast %eq3A_447 : i32 to vector<16xi32>
      %eq3A_449 = arith.cmpi eq, %and3A_446, %eq3A_448 : vector<16xi32>
      %not3A_450 = arith.constant dense<true> : vector<16xi1>
      %not3A_451 = arith.xori %eq3A_449, %not3A_450 : vector<16xi1>
      %xor3A_452 = arith.xori %or3A_443, %not3A_451 : vector<16xi1>
      %select_n3A_453 = arith.select %xor3A_452, %select_n3A_341, %gather3A_432 : vector<16xi1>, vector<16xf32>
      %select_n3A_454 = arith.select %xor3A_452, %select_n3A_342, %gather3A_438 : vector<16xi1>, vector<16xi32>
      %xor3A_455 = arith.constant 2 : i32
      %xor3A_456 = vector.broadcast %xor3A_455 : i32 to vector<16xi32>
      %xor3A_457 = arith.xori %iota3A, %xor3A_456 : vector<16xi32>
      %broadcast_in_dim3A_458 = vector.shape_cast %xor3A_457 : vector<16xi32> to vector<16x1xi32>
      %gather3A_459 = vector.shape_cast %broadcast_in_dim3A_458 : vector<16x1xi32> to vector<16xi32>
      %gather3A_460 = tpu.dynamic_gather %select_n3A_369[%gather3A_459] in [0] : vector<16xf32>, vector<16xi32> -> vector<16xf32>
      %xor3A_461 = arith.constant 2 : i32
      %xor3A_462 = vector.broadcast %xor3A_461 : i32 to vector<16xi32>
      %xor3A_463 = arith.xori %iota3A, %xor3A_462 : vector<16xi32>
      %broadcast_in_dim3A_464 = vector.shape_cast %xor3A_463 : vector<16xi32> to vector<16x1xi32>
      %gather3A_465 = vector.shape_cast %broadcast_in_dim3A_464 : vector<16x1xi32> to vector<16xi32>
      %gather3A_466 = tpu.dynamic_gather %select_n3A_370[%gather3A_465] in [0] : vector<16xi32>, vector<16xi32> -> vector<16xi32>
      %gt3A_467 = arith.cmpf ogt, %select_n3A_369, %gather3A_460 : vector<16xf32>
      %eq3A_468 = arith.cmpf oeq, %select_n3A_369, %gather3A_460 : vector<16xf32>
      %lt3A_469 = arith.cmpi slt, %select_n3A_370, %gather3A_466 : vector<16xi32>
      %and3A_470 = arith.andi %eq3A_468, %lt3A_469 : vector<16xi1>
      %or3A_471 = arith.ori %gt3A_467, %and3A_470 : vector<16xi1>
      %and3A_472 = arith.constant 2 : i32
      %and3A_473 = vector.broadcast %and3A_472 : i32 to vector<16xi32>
      %and3A_474 = arith.andi %iota3A, %and3A_473 : vector<16xi32>
      %eq3A_475 = arith.constant 0 : i32
      %eq3A_476 = vector.broadcast %eq3A_475 : i32 to vector<16xi32>
      %eq3A_477 = arith.cmpi eq, %and3A_474, %eq3A_476 : vector<16xi32>
      %not3A_478 = arith.constant dense<true> : vector<16xi1>
      %not3A_479 = arith.xori %eq3A_477, %not3A_478 : vector<16xi1>
      %xor3A_480 = arith.xori %or3A_471, %not3A_479 : vector<16xi1>
      %select_n3A_481 = arith.select %xor3A_480, %select_n3A_369, %gather3A_460 : vector<16xi1>, vector<16xf32>
      %select_n3A_482 = arith.select %xor3A_480, %select_n3A_370, %gather3A_466 : vector<16xi1>, vector<16xi32>
      %xor3A_483 = arith.constant 2 : i32
      %xor3A_484 = vector.broadcast %xor3A_483 : i32 to vector<16xi32>
      %xor3A_485 = arith.xori %iota3A, %xor3A_484 : vector<16xi32>
      %broadcast_in_dim3A_486 = vector.shape_cast %xor3A_485 : vector<16xi32> to vector<16x1xi32>
      %gather3A_487 = vector.shape_cast %broadcast_in_dim3A_486 : vector<16x1xi32> to vector<16xi32>
      %gather3A_488 = tpu.dynamic_gather %select_n3A_397[%gather3A_487] in [0] : vector<16xf32>, vector<16xi32> -> vector<16xf32>
      %xor3A_489 = arith.constant 2 : i32
      %xor3A_490 = vector.broadcast %xor3A_489 : i32 to vector<16xi32>
      %xor3A_491 = arith.xori %iota3A, %xor3A_490 : vector<16xi32>
      %broadcast_in_dim3A_492 = vector.shape_cast %xor3A_491 : vector<16xi32> to vector<16x1xi32>
      %gather3A_493 = vector.shape_cast %broadcast_in_dim3A_492 : vector<16x1xi32> to vector<16xi32>
      %gather3A_494 = tpu.dynamic_gather %select_n3A_398[%gather3A_493] in [0] : vector<16xi32>, vector<16xi32> -> vector<16xi32>
      %gt3A_495 = arith.cmpf ogt, %select_n3A_397, %gather3A_488 : vector<16xf32>
      %eq3A_496 = arith.cmpf oeq, %select_n3A_397, %gather3A_488 : vector<16xf32>
      %lt3A_497 = arith.cmpi slt, %select_n3A_398, %gather3A_494 : vector<16xi32>
      %and3A_498 = arith.andi %eq3A_496, %lt3A_497 : vector<16xi1>
      %or3A_499 = arith.ori %gt3A_495, %and3A_498 : vector<16xi1>
      %and3A_500 = arith.constant 2 : i32
      %and3A_501 = vector.broadcast %and3A_500 : i32 to vector<16xi32>
      %and3A_502 = arith.andi %iota3A, %and3A_501 : vector<16xi32>
      %eq3A_503 = arith.constant 0 : i32
      %eq3A_504 = vector.broadcast %eq3A_503 : i32 to vector<16xi32>
      %eq3A_505 = arith.cmpi eq, %and3A_502, %eq3A_504 : vector<16xi32>
      %not3A_506 = arith.constant dense<true> : vector<16xi1>
      %not3A_507 = arith.xori %eq3A_505, %not3A_506 : vector<16xi1>
      %xor3A_508 = arith.xori %or3A_499, %not3A_507 : vector<16xi1>
      %select_n3A_509 = arith.select %xor3A_508, %select_n3A_397, %gather3A_488 : vector<16xi1>, vector<16xf32>
      %select_n3A_510 = arith.select %xor3A_508, %select_n3A_398, %gather3A_494 : vector<16xi1>, vector<16xi32>
      %xor3A_511 = arith.constant 2 : i32
      %xor3A_512 = vector.broadcast %xor3A_511 : i32 to vector<16xi32>
      %xor3A_513 = arith.xori %iota3A, %xor3A_512 : vector<16xi32>
      %broadcast_in_dim3A_514 = vector.shape_cast %xor3A_513 : vector<16xi32> to vector<16x1xi32>
      %gather3A_515 = vector.shape_cast %broadcast_in_dim3A_514 : vector<16x1xi32> to vector<16xi32>
      %gather3A_516 = tpu.dynamic_gather %select_n3A_425[%gather3A_515] in [0] : vector<16xf32>, vector<16xi32> -> vector<16xf32>
      %xor3A_517 = arith.constant 2 : i32
      %xor3A_518 = vector.broadcast %xor3A_517 : i32 to vector<16xi32>
      %xor3A_519 = arith.xori %iota3A, %xor3A_518 : vector<16xi32>
      %broadcast_in_dim3A_520 = vector.shape_cast %xor3A_519 : vector<16xi32> to vector<16x1xi32>
      %gather3A_521 = vector.shape_cast %broadcast_in_dim3A_520 : vector<16x1xi32> to vector<16xi32>
      %gather3A_522 = tpu.dynamic_gather %select_n3A_426[%gather3A_521] in [0] : vector<16xi32>, vector<16xi32> -> vector<16xi32>
      %gt3A_523 = arith.cmpf ogt, %select_n3A_425, %gather3A_516 : vector<16xf32>
      %eq3A_524 = arith.cmpf oeq, %select_n3A_425, %gather3A_516 : vector<16xf32>
      %lt3A_525 = arith.cmpi slt, %select_n3A_426, %gather3A_522 : vector<16xi32>
      %and3A_526 = arith.andi %eq3A_524, %lt3A_525 : vector<16xi1>
      %or3A_527 = arith.ori %gt3A_523, %and3A_526 : vector<16xi1>
      %and3A_528 = arith.constant 2 : i32
      %and3A_529 = vector.broadcast %and3A_528 : i32 to vector<16xi32>
      %and3A_530 = arith.andi %iota3A, %and3A_529 : vector<16xi32>
      %eq3A_531 = arith.constant 0 : i32
      %eq3A_532 = vector.broadcast %eq3A_531 : i32 to vector<16xi32>
      %eq3A_533 = arith.cmpi eq, %and3A_530, %eq3A_532 : vector<16xi32>
      %not3A_534 = arith.constant dense<true> : vector<16xi1>
      %not3A_535 = arith.xori %eq3A_533, %not3A_534 : vector<16xi1>
      %xor3A_536 = arith.xori %or3A_527, %not3A_535 : vector<16xi1>
      %select_n3A_537 = arith.select %xor3A_536, %select_n3A_425, %gather3A_516 : vector<16xi1>, vector<16xf32>
      %select_n3A_538 = arith.select %xor3A_536, %select_n3A_426, %gather3A_522 : vector<16xi1>, vector<16xi32>
      %xor3A_539 = arith.constant 1 : i32
      %xor3A_540 = vector.broadcast %xor3A_539 : i32 to vector<16xi32>
      %xor3A_541 = arith.xori %iota3A, %xor3A_540 : vector<16xi32>
      %broadcast_in_dim3A_542 = vector.shape_cast %xor3A_541 : vector<16xi32> to vector<16x1xi32>
      %gather3A_543 = vector.shape_cast %broadcast_in_dim3A_542 : vector<16x1xi32> to vector<16xi32>
      %gather3A_544 = tpu.dynamic_gather %select_n3A_453[%gather3A_543] in [0] : vector<16xf32>, vector<16xi32> -> vector<16xf32>
      %xor3A_545 = arith.constant 1 : i32
      %xor3A_546 = vector.broadcast %xor3A_545 : i32 to vector<16xi32>
      %xor3A_547 = arith.xori %iota3A, %xor3A_546 : vector<16xi32>
      %broadcast_in_dim3A_548 = vector.shape_cast %xor3A_547 : vector<16xi32> to vector<16x1xi32>
      %gather3A_549 = vector.shape_cast %broadcast_in_dim3A_548 : vector<16x1xi32> to vector<16xi32>
      %gather3A_550 = tpu.dynamic_gather %select_n3A_454[%gather3A_549] in [0] : vector<16xi32>, vector<16xi32> -> vector<16xi32>
      %gt3A_551 = arith.cmpf ogt, %select_n3A_453, %gather3A_544 : vector<16xf32>
      %eq3A_552 = arith.cmpf oeq, %select_n3A_453, %gather3A_544 : vector<16xf32>
      %lt3A_553 = arith.cmpi slt, %select_n3A_454, %gather3A_550 : vector<16xi32>
      %and3A_554 = arith.andi %eq3A_552, %lt3A_553 : vector<16xi1>
      %or3A_555 = arith.ori %gt3A_551, %and3A_554 : vector<16xi1>
      %and3A_556 = arith.constant 1 : i32
      %and3A_557 = vector.broadcast %and3A_556 : i32 to vector<16xi32>
      %and3A_558 = arith.andi %iota3A, %and3A_557 : vector<16xi32>
      %eq3A_559 = arith.constant 0 : i32
      %eq3A_560 = vector.broadcast %eq3A_559 : i32 to vector<16xi32>
      %eq3A_561 = arith.cmpi eq, %and3A_558, %eq3A_560 : vector<16xi32>
      %not3A_562 = arith.constant dense<true> : vector<16xi1>
      %not3A_563 = arith.xori %eq3A_561, %not3A_562 : vector<16xi1>
      %xor3A_564 = arith.xori %or3A_555, %not3A_563 : vector<16xi1>
      %select_n3A_565 = arith.select %xor3A_564, %select_n3A_453, %gather3A_544 : vector<16xi1>, vector<16xf32>
      %select_n3A_566 = arith.select %xor3A_564, %select_n3A_454, %gather3A_550 : vector<16xi1>, vector<16xi32>
      %xor3A_567 = arith.constant 1 : i32
      %xor3A_568 = vector.broadcast %xor3A_567 : i32 to vector<16xi32>
      %xor3A_569 = arith.xori %iota3A, %xor3A_568 : vector<16xi32>
      %broadcast_in_dim3A_570 = vector.shape_cast %xor3A_569 : vector<16xi32> to vector<16x1xi32>
      %gather3A_571 = vector.shape_cast %broadcast_in_dim3A_570 : vector<16x1xi32> to vector<16xi32>
      %gather3A_572 = tpu.dynamic_gather %select_n3A_481[%gather3A_571] in [0] : vector<16xf32>, vector<16xi32> -> vector<16xf32>
      %xor3A_573 = arith.constant 1 : i32
      %xor3A_574 = vector.broadcast %xor3A_573 : i32 to vector<16xi32>
      %xor3A_575 = arith.xori %iota3A, %xor3A_574 : vector<16xi32>
      %broadcast_in_dim3A_576 = vector.shape_cast %xor3A_575 : vector<16xi32> to vector<16x1xi32>
      %gather3A_577 = vector.shape_cast %broadcast_in_dim3A_576 : vector<16x1xi32> to vector<16xi32>
      %gather3A_578 = tpu.dynamic_gather %select_n3A_482[%gather3A_577] in [0] : vector<16xi32>, vector<16xi32> -> vector<16xi32>
      %gt3A_579 = arith.cmpf ogt, %select_n3A_481, %gather3A_572 : vector<16xf32>
      %eq3A_580 = arith.cmpf oeq, %select_n3A_481, %gather3A_572 : vector<16xf32>
      %lt3A_581 = arith.cmpi slt, %select_n3A_482, %gather3A_578 : vector<16xi32>
      %and3A_582 = arith.andi %eq3A_580, %lt3A_581 : vector<16xi1>
      %or3A_583 = arith.ori %gt3A_579, %and3A_582 : vector<16xi1>
      %and3A_584 = arith.constant 1 : i32
      %and3A_585 = vector.broadcast %and3A_584 : i32 to vector<16xi32>
      %and3A_586 = arith.andi %iota3A, %and3A_585 : vector<16xi32>
      %eq3A_587 = arith.constant 0 : i32
      %eq3A_588 = vector.broadcast %eq3A_587 : i32 to vector<16xi32>
      %eq3A_589 = arith.cmpi eq, %and3A_586, %eq3A_588 : vector<16xi32>
      %not3A_590 = arith.constant dense<true> : vector<16xi1>
      %not3A_591 = arith.xori %eq3A_589, %not3A_590 : vector<16xi1>
      %xor3A_592 = arith.xori %or3A_583, %not3A_591 : vector<16xi1>
      %select_n3A_593 = arith.select %xor3A_592, %select_n3A_481, %gather3A_572 : vector<16xi1>, vector<16xf32>
      %select_n3A_594 = arith.select %xor3A_592, %select_n3A_482, %gather3A_578 : vector<16xi1>, vector<16xi32>
      %xor3A_595 = arith.constant 1 : i32
      %xor3A_596 = vector.broadcast %xor3A_595 : i32 to vector<16xi32>
      %xor3A_597 = arith.xori %iota3A, %xor3A_596 : vector<16xi32>
      %broadcast_in_dim3A_598 = vector.shape_cast %xor3A_597 : vector<16xi32> to vector<16x1xi32>
      %gather3A_599 = vector.shape_cast %broadcast_in_dim3A_598 : vector<16x1xi32> to vector<16xi32>
      %gather3A_600 = tpu.dynamic_gather %select_n3A_509[%gather3A_599] in [0] : vector<16xf32>, vector<16xi32> -> vector<16xf32>
      %xor3A_601 = arith.constant 1 : i32
      %xor3A_602 = vector.broadcast %xor3A_601 : i32 to vector<16xi32>
      %xor3A_603 = arith.xori %iota3A, %xor3A_602 : vector<16xi32>
      %broadcast_in_dim3A_604 = vector.shape_cast %xor3A_603 : vector<16xi32> to vector<16x1xi32>
      %gather3A_605 = vector.shape_cast %broadcast_in_dim3A_604 : vector<16x1xi32> to vector<16xi32>
      %gather3A_606 = tpu.dynamic_gather %select_n3A_510[%gather3A_605] in [0] : vector<16xi32>, vector<16xi32> -> vector<16xi32>
      %gt3A_607 = arith.cmpf ogt, %select_n3A_509, %gather3A_600 : vector<16xf32>
      %eq3A_608 = arith.cmpf oeq, %select_n3A_509, %gather3A_600 : vector<16xf32>
      %lt3A_609 = arith.cmpi slt, %select_n3A_510, %gather3A_606 : vector<16xi32>
      %and3A_610 = arith.andi %eq3A_608, %lt3A_609 : vector<16xi1>
      %or3A_611 = arith.ori %gt3A_607, %and3A_610 : vector<16xi1>
      %and3A_612 = arith.constant 1 : i32
      %and3A_613 = vector.broadcast %and3A_612 : i32 to vector<16xi32>
      %and3A_614 = arith.andi %iota3A, %and3A_613 : vector<16xi32>
      %eq3A_615 = arith.constant 0 : i32
      %eq3A_616 = vector.broadcast %eq3A_615 : i32 to vector<16xi32>
      %eq3A_617 = arith.cmpi eq, %and3A_614, %eq3A_616 : vector<16xi32>
      %not3A_618 = arith.constant dense<true> : vector<16xi1>
      %not3A_619 = arith.xori %eq3A_617, %not3A_618 : vector<16xi1>
      %xor3A_620 = arith.xori %or3A_611, %not3A_619 : vector<16xi1>
      %select_n3A_621 = arith.select %xor3A_620, %select_n3A_509, %gather3A_600 : vector<16xi1>, vector<16xf32>
      %select_n3A_622 = arith.select %xor3A_620, %select_n3A_510, %gather3A_606 : vector<16xi1>, vector<16xi32>
      %xor3A_623 = arith.constant 1 : i32
      %xor3A_624 = vector.broadcast %xor3A_623 : i32 to vector<16xi32>
      %xor3A_625 = arith.xori %iota3A, %xor3A_624 : vector<16xi32>
      %broadcast_in_dim3A_626 = vector.shape_cast %xor3A_625 : vector<16xi32> to vector<16x1xi32>
      %gather3A_627 = vector.shape_cast %broadcast_in_dim3A_626 : vector<16x1xi32> to vector<16xi32>
      %gather3A_628 = tpu.dynamic_gather %select_n3A_537[%gather3A_627] in [0] : vector<16xf32>, vector<16xi32> -> vector<16xf32>
      %xor3A_629 = arith.constant 1 : i32
      %xor3A_630 = vector.broadcast %xor3A_629 : i32 to vector<16xi32>
      %xor3A_631 = arith.xori %iota3A, %xor3A_630 : vector<16xi32>
      %broadcast_in_dim3A_632 = vector.shape_cast %xor3A_631 : vector<16xi32> to vector<16x1xi32>
      %gather3A_633 = vector.shape_cast %broadcast_in_dim3A_632 : vector<16x1xi32> to vector<16xi32>
      %gather3A_634 = tpu.dynamic_gather %select_n3A_538[%gather3A_633] in [0] : vector<16xi32>, vector<16xi32> -> vector<16xi32>
      %gt3A_635 = arith.cmpf ogt, %select_n3A_537, %gather3A_628 : vector<16xf32>
      %eq3A_636 = arith.cmpf oeq, %select_n3A_537, %gather3A_628 : vector<16xf32>
      %lt3A_637 = arith.cmpi slt, %select_n3A_538, %gather3A_634 : vector<16xi32>
      %and3A_638 = arith.andi %eq3A_636, %lt3A_637 : vector<16xi1>
      %or3A_639 = arith.ori %gt3A_635, %and3A_638 : vector<16xi1>
      %and3A_640 = arith.constant 1 : i32
      %and3A_641 = vector.broadcast %and3A_640 : i32 to vector<16xi32>
      %and3A_642 = arith.andi %iota3A, %and3A_641 : vector<16xi32>
      %eq3A_643 = arith.constant 0 : i32
      %eq3A_644 = vector.broadcast %eq3A_643 : i32 to vector<16xi32>
      %eq3A_645 = arith.cmpi eq, %and3A_642, %eq3A_644 : vector<16xi32>
      %not3A_646 = arith.constant dense<true> : vector<16xi1>
      %not3A_647 = arith.xori %eq3A_645, %not3A_646 : vector<16xi1>
      %xor3A_648 = arith.xori %or3A_639, %not3A_647 : vector<16xi1>
      %select_n3A_649 = arith.select %xor3A_648, %select_n3A_537, %gather3A_628 : vector<16xi1>, vector<16xf32>
      %select_n3A_650 = arith.select %xor3A_648, %select_n3A_538, %gather3A_634 : vector<16xi1>, vector<16xi32>
      %swap3A_651 = arith.constant 0 : index
      %swap3A_652 = tpu.vector_load %arg5[%swap3A_651] {strides = array<i32>} : memref<64xi32, #tpu.memory_space<vmem>>, vector<16xi32>,
      tpu.vector_store %arg5[%swap3A_651], %select_n3A_566 {strides = array<i32>} : memref<64xi32, #tpu.memory_space<vmem>>, vector<16xi32>,
      %swap3A_653 = arith.constant 16 : index
      %swap3A_654 = tpu.vector_load %arg5[%swap3A_653] {strides = array<i32>} : memref<64xi32, #tpu.memory_space<vmem>>, vector<16xi32>,
      tpu.vector_store %arg5[%swap3A_653], %select_n3A_594 {strides = array<i32>} : memref<64xi32, #tpu.memory_space<vmem>>, vector<16xi32>,
      %swap3A_655 = arith.constant 32 : index
      %swap3A_656 = tpu.vector_load %arg5[%swap3A_655] {strides = array<i32>} : memref<64xi32, #tpu.memory_space<vmem>>, vector<16xi32>,
      tpu.vector_store %arg5[%swap3A_655], %select_n3A_622 {strides = array<i32>} : memref<64xi32, #tpu.memory_space<vmem>>, vector<16xi32>,
      %swap3A_657 = arith.constant 48 : index
      %swap3A_658 = tpu.vector_load %arg5[%swap3A_657] {strides = array<i32>} : memref<64xi32, #tpu.memory_space<vmem>>, vector<16xi32>,
      tpu.vector_store %arg5[%swap3A_657], %select_n3A_650 {strides = array<i32>} : memref<64xi32, #tpu.memory_space<vmem>>, vector<16xi32>,
      %mul3A_659 = arith.constant 64 : i32
      %mul3A_660 = arith.muli %add3A, %mul3A_659 : i32
      "tpu.region"() ({
        %run_scoped3A = tpu.sem_alloc : memref<!tpu.dma_semaphore, #tpu.memory_space<semaphore_mem>>
        %dma_start3A = tpu.memref_slice %arg3[%mul3A_660] : memref<1024xi32, #tpu.memory_space<hbm>> -> memref<64xi32, #tpu.memory_space<hbm>>
        %dma_start3A_661 = tpu.memref_slice %arg3[%mul3A_660] : memref<1024xi32, #tpu.memory_space<hbm>> -> memref<64xi32, #tpu.memory_space<hbm>>
        tpu.enqueue_dma source(%arg5 : memref<64xi32, #tpu.memory_space<vmem>>) target(%dma_start3A_661 : memref<64xi32, #tpu.memory_space<hbm>>) target_semaphore(%run_scoped3A : memref<!tpu.dma_semaphore, #tpu.memory_space<semaphore_mem>>)
        %dma_wait3A = tpu.memref_slice %arg3[%mul3A_660] : memref<1024xi32, #tpu.memory_space<hbm>> -> memref<64xi32, #tpu.memory_space<hbm>>
        %dma_wait3A_662 = tpu.memref_slice %arg3[%mul3A_660] : memref<1024xi32, #tpu.memory_space<hbm>> -> memref<64xi32, #tpu.memory_space<hbm>>
        tpu.wait_dma2 semaphore(%run_scoped3A : memref<!tpu.dma_semaphore, #tpu.memory_space<semaphore_mem>>) src(%arg5 : memref<64xi32, #tpu.memory_space<vmem>>) dst(%dma_wait3A_662 : memref<64xi32, #tpu.memory_space<hbm>>)
        tpu.yield
      }) : () -> ()
    } else {
    }
    return
  }
}

module attributes {stable_mosaic.version = 14 : i64} {
  func.func @_scores_body(%arg0: i32, %arg1: memref<2x256x4096xf32, #tpu.memory_space<vmem>>, %arg2: memref<64x256xf32, #tpu.memory_space<vmem>>, %arg3: memref<64x1xf32, #tpu.memory_space<vmem>>, %arg4: memref<16x64xf32, #tpu.memory_space<vmem>>, %arg5: memref<16x1xf32, #tpu.memory_space<vmem>>, %arg6: memref<1x16xf32, #tpu.memory_space<vmem>>, %arg7: memref<1x1xf32, #tpu.memory_space<vmem>>, %arg8: memref<2x1x4096xf32, #tpu.memory_space<vmem>>) attributes {dimension_semantics = [#tpu.dimension_semantics<arbitrary>], iteration_bounds = array<i64: 8>, scalar_prefetch = 0 : i64, scratch_operands = 0 : i64, tpu.core_type = #tpu.core_type<tc>, window_params = [{transform_indices = @transform_0, window_bounds = array<i64: 2, 256, 4096>}, {pipeline_mode = #tpu.pipeline_mode<synchronous>, transform_indices = @transform_1, window_bounds = array<i64: 64, 256>}, {pipeline_mode = #tpu.pipeline_mode<synchronous>, transform_indices = @transform_2, window_bounds = array<i64: 64, 1>}, {pipeline_mode = #tpu.pipeline_mode<synchronous>, transform_indices = @transform_3, window_bounds = array<i64: 16, 64>}, {pipeline_mode = #tpu.pipeline_mode<synchronous>, transform_indices = @transform_4, window_bounds = array<i64: 16, 1>}, {pipeline_mode = #tpu.pipeline_mode<synchronous>, transform_indices = @transform_5, window_bounds = array<i64: 1, 16>}, {pipeline_mode = #tpu.pipeline_mode<synchronous>, transform_indices = @transform_6, window_bounds = array<i64: 1, 1>}, {transform_indices = @transform_7, window_bounds = array<i64: 2, 1, 4096>}]} {
    %get3A = arith.constant 0 : index
    %get3A_0 = arith.constant 0 : index
    %get3A_1 = arith.constant 0 : index
    %get3A_2 = vector.load %arg1[%get3A, %get3A_0, %get3A_1] : memref<2x256x4096xf32, #tpu.memory_space<vmem>>, vector<1x256x4096xf32>
    %get3A_3 = vector.shape_cast %get3A_2 : vector<1x256x4096xf32> to vector<256x4096xf32>
    %get3A_4 = arith.constant 0 : index
    %get3A_5 = arith.constant 0 : index
    %get3A_6 = vector.load %arg2[%get3A_4, %get3A_5] : memref<64x256xf32, #tpu.memory_space<vmem>>, vector<64x256xf32>
    %dot_general3A = arith.constant dense<0.000000e+00> : vector<64x4096xf32>
    %dot_general3A_7 = tpu.matmul %get3A_6, %get3A_3, %dot_general3A {dimension_numbers = #tpu.dot_dimension_numbers<[1], [0], [0], [1], [0, 0, 1, 1], [], []>, transpose_lhs_hint = false} : vector<64x256xf32>, vector<256x4096xf32>, vector<64x4096xf32> -> vector<64x4096xf32>
    %get3A_8 = arith.constant 0 : index
    %get3A_9 = arith.constant 0 : index
    %get3A_10 = vector.load %arg3[%get3A_8, %get3A_9] : memref<64x1xf32, #tpu.memory_space<vmem>>, vector<64x1xf32>
    %add3A = vector.broadcast %get3A_10 : vector<64x1xf32> to vector<64x4096xf32>
    %add3A_11 = arith.addf %dot_general3A_7, %add3A : vector<64x4096xf32>
    %gt3A = arith.constant 0.000000e+00 : f32
    %gt3A_12 = vector.broadcast %gt3A : f32 to vector<64x4096xf32>
    %gt3A_13 = arith.cmpf ogt, %add3A_11, %gt3A_12 : vector<64x4096xf32>
    %mul3A = arith.constant 0.00999999977 : f32
    %mul3A_14 = vector.broadcast %mul3A : f32 to vector<64x4096xf32>
    %mul3A_15 = arith.mulf %mul3A_14, %add3A_11 : vector<64x4096xf32>
    %select_n3A = arith.select %gt3A_13, %add3A_11, %mul3A_15 : vector<64x4096xi1>, vector<64x4096xf32>
    %get3A_16 = arith.constant 0 : index
    %get3A_17 = arith.constant 0 : index
    %get3A_18 = vector.load %arg4[%get3A_16, %get3A_17] : memref<16x64xf32, #tpu.memory_space<vmem>>, vector<16x64xf32>
    %dot_general3A_19 = arith.constant dense<0.000000e+00> : vector<16x4096xf32>
    %dot_general3A_20 = tpu.matmul %get3A_18, %select_n3A, %dot_general3A_19 {dimension_numbers = #tpu.dot_dimension_numbers<[1], [0], [0], [1], [0, 0, 1, 1], [], []>, transpose_lhs_hint = false} : vector<16x64xf32>, vector<64x4096xf32>, vector<16x4096xf32> -> vector<16x4096xf32>
    %get3A_21 = arith.constant 0 : index
    %get3A_22 = arith.constant 0 : index
    %get3A_23 = vector.load %arg5[%get3A_21, %get3A_22] : memref<16x1xf32, #tpu.memory_space<vmem>>, vector<16x1xf32>
    %add3A_24 = vector.broadcast %get3A_23 : vector<16x1xf32> to vector<16x4096xf32>
    %add3A_25 = arith.addf %dot_general3A_20, %add3A_24 : vector<16x4096xf32>
    %gt3A_26 = arith.constant 0.000000e+00 : f32
    %gt3A_27 = vector.broadcast %gt3A_26 : f32 to vector<16x4096xf32>
    %gt3A_28 = arith.cmpf ogt, %add3A_25, %gt3A_27 : vector<16x4096xf32>
    %mul3A_29 = arith.constant 0.00999999977 : f32
    %mul3A_30 = vector.broadcast %mul3A_29 : f32 to vector<16x4096xf32>
    %mul3A_31 = arith.mulf %mul3A_30, %add3A_25 : vector<16x4096xf32>
    %select_n3A_32 = arith.select %gt3A_28, %add3A_25, %mul3A_31 : vector<16x4096xi1>, vector<16x4096xf32>
    %get3A_33 = arith.constant 0 : index
    %get3A_34 = arith.constant 0 : index
    %get3A_35 = vector.load %arg6[%get3A_33, %get3A_34] : memref<1x16xf32, #tpu.memory_space<vmem>>, vector<1x16xf32>
    %dot_general3A_36 = arith.constant dense<0.000000e+00> : vector<1x4096xf32>
    %dot_general3A_37 = tpu.matmul %get3A_35, %select_n3A_32, %dot_general3A_36 {dimension_numbers = #tpu.dot_dimension_numbers<[1], [0], [0], [1], [0, 0, 1, 1], [], []>, transpose_lhs_hint = false} : vector<1x16xf32>, vector<16x4096xf32>, vector<1x4096xf32> -> vector<1x4096xf32>
    %get3A_38 = arith.constant 0 : index
    %get3A_39 = arith.constant 0 : index
    %get3A_40 = vector.load %arg7[%get3A_38, %get3A_39] : memref<1x1xf32, #tpu.memory_space<vmem>>, vector<1x1xf32>
    %add3A_41 = vector.broadcast %get3A_40 : vector<1x1xf32> to vector<1x4096xf32>
    %add3A_42 = arith.addf %dot_general3A_37, %add3A_41 : vector<1x4096xf32>
    %tanh3A = math.tanh %add3A_42 : vector<1x4096xf32>
    %swap3A = arith.constant 0 : index
    %swap3A_43 = arith.constant 0 : index
    %swap3A_44 = arith.constant 0 : index
    %swap3A_45 = vector.load %arg8[%swap3A, %swap3A_43, %swap3A_44] : memref<2x1x4096xf32, #tpu.memory_space<vmem>>, vector<1x1x4096xf32>
    %swap3A_46 = vector.shape_cast %swap3A_45 : vector<1x1x4096xf32> to vector<1x4096xf32>
    %swap3A_47 = vector.shape_cast %tanh3A : vector<1x4096xf32> to vector<1x1x4096xf32>
    tpu.vector_store %arg8[%swap3A, %swap3A_43, %swap3A_44], %swap3A_47 {strides = array<i32>} : memref<2x1x4096xf32, #tpu.memory_space<vmem>>, vector<1x1x4096xf32>,
    %get3A_48 = arith.constant 1 : index
    %get3A_49 = arith.constant 0 : index
    %get3A_50 = arith.constant 0 : index
    %get3A_51 = vector.load %arg1[%get3A_48, %get3A_49, %get3A_50] : memref<2x256x4096xf32, #tpu.memory_space<vmem>>, vector<1x256x4096xf32>
    %get3A_52 = vector.shape_cast %get3A_51 : vector<1x256x4096xf32> to vector<256x4096xf32>
    %get3A_53 = arith.constant 0 : index
    %get3A_54 = arith.constant 0 : index
    %get3A_55 = vector.load %arg2[%get3A_53, %get3A_54] : memref<64x256xf32, #tpu.memory_space<vmem>>, vector<64x256xf32>
    %dot_general3A_56 = arith.constant dense<0.000000e+00> : vector<64x4096xf32>
    %dot_general3A_57 = tpu.matmul %get3A_55, %get3A_52, %dot_general3A_56 {dimension_numbers = #tpu.dot_dimension_numbers<[1], [0], [0], [1], [0, 0, 1, 1], [], []>, transpose_lhs_hint = false} : vector<64x256xf32>, vector<256x4096xf32>, vector<64x4096xf32> -> vector<64x4096xf32>
    %get3A_58 = arith.constant 0 : index
    %get3A_59 = arith.constant 0 : index
    %get3A_60 = vector.load %arg3[%get3A_58, %get3A_59] : memref<64x1xf32, #tpu.memory_space<vmem>>, vector<64x1xf32>
    %add3A_61 = vector.broadcast %get3A_60 : vector<64x1xf32> to vector<64x4096xf32>
    %add3A_62 = arith.addf %dot_general3A_57, %add3A_61 : vector<64x4096xf32>
    %gt3A_63 = arith.constant 0.000000e+00 : f32
    %gt3A_64 = vector.broadcast %gt3A_63 : f32 to vector<64x4096xf32>
    %gt3A_65 = arith.cmpf ogt, %add3A_62, %gt3A_64 : vector<64x4096xf32>
    %mul3A_66 = arith.constant 0.00999999977 : f32
    %mul3A_67 = vector.broadcast %mul3A_66 : f32 to vector<64x4096xf32>
    %mul3A_68 = arith.mulf %mul3A_67, %add3A_62 : vector<64x4096xf32>
    %select_n3A_69 = arith.select %gt3A_65, %add3A_62, %mul3A_68 : vector<64x4096xi1>, vector<64x4096xf32>
    %get3A_70 = arith.constant 0 : index
    %get3A_71 = arith.constant 0 : index
    %get3A_72 = vector.load %arg4[%get3A_70, %get3A_71] : memref<16x64xf32, #tpu.memory_space<vmem>>, vector<16x64xf32>
    %dot_general3A_73 = arith.constant dense<0.000000e+00> : vector<16x4096xf32>
    %dot_general3A_74 = tpu.matmul %get3A_72, %select_n3A_69, %dot_general3A_73 {dimension_numbers = #tpu.dot_dimension_numbers<[1], [0], [0], [1], [0, 0, 1, 1], [], []>, transpose_lhs_hint = false} : vector<16x64xf32>, vector<64x4096xf32>, vector<16x4096xf32> -> vector<16x4096xf32>
    %get3A_75 = arith.constant 0 : index
    %get3A_76 = arith.constant 0 : index
    %get3A_77 = vector.load %arg5[%get3A_75, %get3A_76] : memref<16x1xf32, #tpu.memory_space<vmem>>, vector<16x1xf32>
    %add3A_78 = vector.broadcast %get3A_77 : vector<16x1xf32> to vector<16x4096xf32>
    %add3A_79 = arith.addf %dot_general3A_74, %add3A_78 : vector<16x4096xf32>
    %gt3A_80 = arith.constant 0.000000e+00 : f32
    %gt3A_81 = vector.broadcast %gt3A_80 : f32 to vector<16x4096xf32>
    %gt3A_82 = arith.cmpf ogt, %add3A_79, %gt3A_81 : vector<16x4096xf32>
    %mul3A_83 = arith.constant 0.00999999977 : f32
    %mul3A_84 = vector.broadcast %mul3A_83 : f32 to vector<16x4096xf32>
    %mul3A_85 = arith.mulf %mul3A_84, %add3A_79 : vector<16x4096xf32>
    %select_n3A_86 = arith.select %gt3A_82, %add3A_79, %mul3A_85 : vector<16x4096xi1>, vector<16x4096xf32>
    %get3A_87 = arith.constant 0 : index
    %get3A_88 = arith.constant 0 : index
    %get3A_89 = vector.load %arg6[%get3A_87, %get3A_88] : memref<1x16xf32, #tpu.memory_space<vmem>>, vector<1x16xf32>
    %dot_general3A_90 = arith.constant dense<0.000000e+00> : vector<1x4096xf32>
    %dot_general3A_91 = tpu.matmul %get3A_89, %select_n3A_86, %dot_general3A_90 {dimension_numbers = #tpu.dot_dimension_numbers<[1], [0], [0], [1], [0, 0, 1, 1], [], []>, transpose_lhs_hint = false} : vector<1x16xf32>, vector<16x4096xf32>, vector<1x4096xf32> -> vector<1x4096xf32>
    %get3A_92 = arith.constant 0 : index
    %get3A_93 = arith.constant 0 : index
    %get3A_94 = vector.load %arg7[%get3A_92, %get3A_93] : memref<1x1xf32, #tpu.memory_space<vmem>>, vector<1x1xf32>
    %add3A_95 = vector.broadcast %get3A_94 : vector<1x1xf32> to vector<1x4096xf32>
    %add3A_96 = arith.addf %dot_general3A_91, %add3A_95 : vector<1x4096xf32>
    %tanh3A_97 = math.tanh %add3A_96 : vector<1x4096xf32>
    %swap3A_98 = arith.constant 1 : index
    %swap3A_99 = arith.constant 0 : index
    %swap3A_100 = arith.constant 0 : index
    %swap3A_101 = vector.load %arg8[%swap3A_98, %swap3A_99, %swap3A_100] : memref<2x1x4096xf32, #tpu.memory_space<vmem>>, vector<1x1x4096xf32>
    %swap3A_102 = vector.shape_cast %swap3A_101 : vector<1x1x4096xf32> to vector<1x4096xf32>
    %swap3A_103 = vector.shape_cast %tanh3A_97 : vector<1x4096xf32> to vector<1x1x4096xf32>
    tpu.vector_store %arg8[%swap3A_98, %swap3A_99, %swap3A_100], %swap3A_103 {strides = array<i32>} : memref<2x1x4096xf32, #tpu.memory_space<vmem>>, vector<1x1x4096xf32>,
    return
  }
  func.func @transform_0(%arg0: i32) -> (i32, i32, i32) {
    %c0_i32 = arith.constant 0 : i32
    %c0_i32_0 = arith.constant 0 : i32
    %c0_i32_1 = arith.constant 0 : i32
    return %arg0, %c0_i32, %c0_i32_0 : i32, i32, i32
  }
  func.func @transform_1(%arg0: i32) -> (i32, i32) {
    %c0_i32 = arith.constant 0 : i32
    %c0_i32_0 = arith.constant 0 : i32
    %c0_i32_1 = arith.constant 0 : i32
    return %c0_i32, %c0_i32_0 : i32, i32
  }
  func.func @transform_2(%arg0: i32) -> (i32, i32) {
    %c0_i32 = arith.constant 0 : i32
    %c0_i32_0 = arith.constant 0 : i32
    %c0_i32_1 = arith.constant 0 : i32
    return %c0_i32, %c0_i32_0 : i32, i32
  }
  func.func @transform_3(%arg0: i32) -> (i32, i32) {
    %c0_i32 = arith.constant 0 : i32
    %c0_i32_0 = arith.constant 0 : i32
    %c0_i32_1 = arith.constant 0 : i32
    return %c0_i32, %c0_i32_0 : i32, i32
  }
  func.func @transform_4(%arg0: i32) -> (i32, i32) {
    %c0_i32 = arith.constant 0 : i32
    %c0_i32_0 = arith.constant 0 : i32
    %c0_i32_1 = arith.constant 0 : i32
    return %c0_i32, %c0_i32_0 : i32, i32
  }
  func.func @transform_5(%arg0: i32) -> (i32, i32) {
    %c0_i32 = arith.constant 0 : i32
    %c0_i32_0 = arith.constant 0 : i32
    %c0_i32_1 = arith.constant 0 : i32
    return %c0_i32, %c0_i32_0 : i32, i32
  }
  func.func @transform_6(%arg0: i32) -> (i32, i32) {
    %c0_i32 = arith.constant 0 : i32
    %c0_i32_0 = arith.constant 0 : i32
    %c0_i32_1 = arith.constant 0 : i32
    return %c0_i32, %c0_i32_0 : i32, i32
  }
  func.func @transform_7(%arg0: i32) -> (i32, i32, i32) {
    %c0_i32 = arith.constant 0 : i32
    %c0_i32_0 = arith.constant 0 : i32
    %c0_i32_1 = arith.constant 0 : i32
    return %arg0, %c0_i32, %c0_i32_0 : i32, i32, i32
  }
}

</mosaic_0001>

<sc_bundles>
// kernel: kernel.4.cloned.1.call-start
scs
__scs_entry_jumppad:
0x0: {  	(pc) =	sbr.rel $0x88, $3  }
0x1: {  	(tag) =	ssettag $0x0;
	lr =	simm.s32 $0x1  }
0x2: {  	[smem:$0x3F9A] =	sst lr;
	_ =	strace $0xD0000000  }
0x3: {  	_ = 	snop  }
0x4: {  	_ = 	snop  }
0x5: {  	_ = 	snop  }
0x6: {  	_ = 	snop  }
0x7: {  	_ = 	snop  }
__scs_overlays_trampoline_lowered:
0x8: {  	[smem:$0x3FA9] =	sst s0  }
0x9: {  	[smem:$0x3FAA] =	sst s1  }
0xa: {  	[smem:$0x3FAB] =	sst s2  }
0xb: {  	[smem:$0x3FAC] =	sst s3  }
0xc: {  	[smem:$0x3FAD] =	sst s4  }
0xd: {  	[smem:$0x3FAE] =	sst s5  }
0xe: {  	[smem:$0x3FAF] =	sst s6  }
0xf: {  	[smem:$0x3FB0] =	sst s7  }
0x10: {  	[smem:$0x3FB1] =	sst s8  }
0x11: {  	[smem:$0x3FB2] =	sst s9;
	s0 =	simm.s32 @!p0 $0x0  }
0x12: {  	s1 =	sld [smem:$0x3F98];
	s0 =	simm.s32 @p0 $0x1  }
0x13: {  	[smem:$0x3FB3] =	sst s0;
	s0 =	simm.s32 @!p1 $0x0  }
0x14: {  	s2 =	sld [smem:$0x3F97];
	s0 =	simm.s32 @p1 $0x1  }
0x15: {  	[smem:$0x3FB4] =	sst s0;
	s0 =	simm.s32 @!p2 $0x0  }
0x16: {  	s3 =	sld [smem:$0x3FDB];
	s0 =	simm.s32 @p2 $0x1  }
0x17: {  	s4 =	simm.s32 $0x1BF5;
	[smem:$0x3FB6] =	sst s0  }
0x18: {  	s0 =	sld [smem:$0x3F99];
	_ =	swait.ge [sflag:s4], $0x0  }
0x19: {  	s7 =	sld [smem:$0x3F9A]  }
0x1a: {  	s8 =	sadd.s32 $0xFFFFE003, lr  }
0x1b: {  	s9 =	sadd.s32 $0xFFFFFEF7, lr;
	s5 =	simm.s32 $0xFFFFFFFF;
	p2 =	slt.u32 s8, $0xFFFFF086  }
0x1c: {  	p1 =	slt.u32 s9, $0xF7A;
	s5 =	simm.s32 @!p2 $0x0  }
0x1d: {  	s5 =	simm.s32 @p1 $0x1;
	p0 =	seq.s32 s7, s2  }
0x1e: {  	s7 =	smul.u32 @!p0 $0xF7A, s2;
	p2 =	seq.s32 @!p0 s5, $0x0  }
0x1f: {  	s9 =	smul.u32 $0xF7A, s1;
	s8 =	simm.s32 @!p0 $0x1BF5;
	p2 =	por !p2, p0  }
0x20: {  	[sflag:s8] =	ssyncset.s32 @!p0 $0xFFFFF086;
	s6 =	sadd.s32 @!p0 s3, s7;
	s7 =	simm.s32 @!p0 $0x108  }
0x21: {  	s3 =	sadd.s32 s3, s9;
	s6 =	sadd.s32 @!p0 $0x88, s6;
	s7 =	simm.s32 @p2 $0x1082  }
0x22: {  	[simem:s7], [sflag:s8] =	dma.local @!p0 [hbm:s6], $0xF7A  }
0x23: {  	s9 =	sor.u32 $0xD0000000, s2;
	s6 =	simm.s32 $0x108;
	_ =	swait.ge @!p0 [sflag:s8], $0x0  }
0x24: {  	s3 =	sadd.s32 $0x88, s3;
	s6 =	simm.s32 @!p1 $0x1082;
	[sflag:s4] =	ssyncset.s32 $0xFFFFF086  }
0x25: {  	[simem:s6], [sflag:s4] =	dma.local [hbm:s3], $0xF7A  }
0x26: {  	[smem:$0x3F9A] =	sst s1;
	(tag) =	ssettag s2;
	_ =	strace s9  }
0x27: {  	s1 =	sld [smem:$0x3FAA]  }
0x28: {  	s2 =	sld [smem:$0x3FAB]  }
0x29: {  	s4 =	sld [smem:$0x3FAD]  }
0x2a: {  	p0 =	seq.s32 s5, $0x0;
	s5 =	sld [smem:$0x3FAE]  }
0x2b: {  	s6 =	sld [smem:$0x3FAF]  }
0x2c: {  	s7 =	sld [smem:$0x3FB0]  }
0x2d: {  	s3 =	simm.s32 $0x108;
	s8 =	sld [smem:$0x3FB1]  }
0x2e: {  	s3 =	simm.s32 @!p0 $0x1082;
	s9 =	sld [smem:$0x3FB2]  }
0x2f: {  	lr =	sadd.s32 s0, s3;
	s0 =	sld [smem:$0x3FA9]  }
0x30: {  	s3 =	sld [smem:$0x3FAC]  }
0x31: {  	[smem:$0x3FB5] =	sst s10  }
0x32: {  	s10 =	sld [smem:$0x3FB3];
	_ =	sdelay $0x3  }
0x33: {  	p0 =	seq.s32 s10, $0x1;
	s10 =	sld [smem:$0x3FB5];
	_ =	sdelay $0x3  }
0x34: {  	[smem:$0x3FB5] =	sst s10  }
0x35: {  	s10 =	sld [smem:$0x3FB4];
	_ =	sdelay $0x3  }
0x36: {  	p1 =	seq.s32 s10, $0x1;
	s10 =	sld [smem:$0x3FB5];
	_ =	sdelay $0x3  }
0x37: {  	[smem:$0x3FB5] =	sst s10  }
0x38: {  	s10 =	sld [smem:$0x3FB6]  }
0x39: {  	_ = 	snop;
	(pc) =	sbr.ind lr, $3  }
0x3a: {  	_ = 	snop  }
0x3b: {  	_ = 	snop  }
0x3c: {  	p2 =	seq.s32 s10, $0x1;
	s10 =	sld [smem:$0x3FB5]  }
0x3d: {  	_ =	shalt  }
0x3e: {  	_ =	shalt  }
0x3f: {  	_ =	shalt  }
0x40: {  	_ =	shalt  }
0x41: {  	_ =	shalt  }
0x42: {  	_ =	shalt  }
0x43: {  	_ =	shalt  }
0x44: {  	_ =	shalt  }
0x45: {  	_ =	shalt  }
0x46: {  	_ =	shalt  }
0x47: {  	_ =	shalt  }
0x48: {  	_ =	shalt  }
0x49: {  	_ =	shalt  }
0x4a: {  	_ =	shalt  }
0x4b: {  	_ =	shalt  }
0x4c: {  	_ =	shalt  }
0x4d: {  	_ =	shalt  }
0x4e: {  	_ =	shalt  }
0x4f: {  	_ =	shalt  }
0x50: {  	_ =	shalt  }
0x51: {  	_ =	shalt  }
0x52: {  	_ =	shalt  }
0x53: {  	_ =	shalt  }
0x54: {  	_ =	shalt  }
0x55: {  	_ =	shalt  }
0x56: {  	_ =	shalt  }
0x57: {  	_ =	shalt  }
0x58: {  	_ =	shalt  }
0x59: {  	_ =	shalt  }
0x5a: {  	_ =	shalt  }
0x5b: {  	_ =	shalt  }
0x5c: {  	_ =	shalt  }
0x5d: {  	_ =	shalt  }
0x5e: {  	_ =	shalt  }
0x5f: {  	_ =	shalt  }
0x60: {  	_ =	shalt  }
0x61: {  	_ =	shalt  }
0x62: {  	_ =	shalt  }
0x63: {  	_ =	shalt  }
0x64: {  	_ =	shalt  }
0x65: {  	_ =	shalt  }
0x66: {  	_ =	shalt  }
0x67: {  	_ =	shalt  }
0x68: {  	_ =	shalt  }
0x69: {  	_ =	shalt  }
0x6a: {  	_ =	shalt  }
0x6b: {  	_ =	shalt  }
0x6c: {  	_ =	shalt  }
0x6d: {  	_ =	shalt  }
0x6e: {  	_ =	shalt  }
0x6f: {  	_ =	shalt  }
0x70: {  	_ =	shalt  }
0x71: {  	_ =	shalt  }
0x72: {  	_ =	shalt  }
0x73: {  	_ =	shalt  }
0x74: {  	_ =	shalt  }
0x75: {  	_ =	shalt  }
0x76: {  	_ =	shalt  }
0x77: {  	_ =	shalt  }
0x78: {  	_ =	shalt  }
0x79: {  	_ =	shalt  }
0x7a: {  	_ =	shalt  }
0x7b: {  	_ =	shalt  }
0x7c: {  	_ =	shalt  }
0x7d: {  	_ =	shalt  }
0x7e: {  	_ =	shalt  }
0x7f: {  	_ =	shalt  }
0x80: {  	_ =	shalt  }
0x81: {  	_ =	shalt  }
0x82: {  	_ =	shalt  }
0x83: {  	_ =	shalt  }
0x84: {  	_ =	shalt  }
0x85: {  	_ =	shalt  }
0x86: {  	_ =	shalt  }
0x87: {  	_ =	shalt  }
.Lfunc_end0:
.L_simem_size_0:
called_computation_lowered:
.L_overlay_start_0:
0x88: {  	s2 =	sld [smem:$0x3FD9]  }
0x89: {  	s3 =	sld [smem:$0x3FFE];
	_ =	sdelay $0x1  }
0x8a: {  	s1 =	srdreg.scid  }
0x8b: {  	s0 =	sand.u32 $0x1, s1  }
0x8c: {  	s17 =	sshll.u32 s0, $0xA;
	s2 =	sadd.s32 s3, s2  }
0x8d: {  	s2 =	sadd.s32 s2, s17  }
0x8e: {  	[smem:$0x3FC1] =	sst s2  }
0x8f: {  	_ = 	snop  }
0x90: {  	s2 =	sld [smem:$0x3FD0];
	(tm) =	ssettm $0x1  }
0x91: {  	s18 =	sld [smem:$0x3FFB];
	_ =	sdelay $0x3  }
0x92: {  	_ =	strace s18  }
0x93: {  	s3 =	sld [smem:$0x3FFC];
	_ =	sdelay $0x3  }
0x94: {  	_ =	strace s3  }
0x95: {  	s3 =	sld [smem:$0x3FFD];
	_ =	sdelay $0x3  }
0x96: {  	_ =	strace s3  }
0x97: {  	_ =	strace $0x8FFFFFFF  }
0x98: {  	s19 =	sld [smem:$0x3FDB];
	_ =	sdelay $0x1  }
0x99: {  	s4 =	simm.s32 $_scs_section_size  }
0x9a: {  	s5 =	simm.s32 $_size__tile_overlayer_lowered;
	s6 =	simm.s32 $_tile_overlayer_lowered  }
0x9b: {  	s22 =	simm.s32 $0x1BFF;
	s21 =	sshll.u32 s6, $0x1;
	s3 =	sadd.s32 s4, s19  }
0x9c: {  	s7 =	simm.s32 $0x0;
	s20 =	sshll.u32 s5, $0x1;
	s5 =	sadd.s32 s21, s3  }
0x9d: {  	[timem:s7], [sflag:s22] =	dma.local [hbm:s5], s20  }
0x9e: {  	_ =	swait.ge [sflag:s22], s20  }
0x9f: {  	s4 =	ssub.s32 $0x0, s20;
	[sflag:s22] =	ssyncset.done $0x0  }
0xa0: {  	[sflag:s22] =	ssyncadd.s32 s4;
	_ =	sdelay $0x1  }
0xa1: {  	s23 =	simm.s32 $0x1B8B  }
0xa2: {  	_ =	swait.ge [sflag:s23], $0x1  }
0xa3: {  	[sflag:s23] =	ssyncset.done $0x0  }
0xa4: {  	s25 =	simm.s32 $0x1B8E;
	s24 =	sld [smem:$0x3FFE];
	[sflag:s23] =	ssyncadd.s32 $0xFFFFFFFF  }
0xa5: {  	s26 =	simm.s32 $execute0_lowered;
	[smem:$0x3FD2] =	sst s25  }
0xa6: {  	s5 =	sshll.u32 s26, $0x1;
	_ =	strace $0x80000046;
	[dreg:$0x1] =	wrdreg $0xFFFFFFFF  }
0xa7: {  	s28 =	simm.s32 $_size_execute0_lowered;
	s3 =	sadd.s32 s3, s5;
	[dreg:$0x0] =	wrdreg $0x0  }
0xa8: {  	s5 =	sshll.u32 s28, $0x1;
	[dreg:$0x2] =	wrdreg s3  }
0xa9: {  	[dreg:$0x3] =	wrdreg s5  }
0xaa: {  	[dreg:$0x4] =	wrdreg $0xC0  }
0xab: {  	_ =	task [dreg:s7], $0x5FFFF  }
0xac: {  	[dreg:$0x1] =	wrdreg $0xFFFFFFFF  }
0xad: {  	[dreg:$0x0] =	wrdreg $0x60  }
0xae: {  	[dreg:$0x2] =	wrdreg s24  }
0xaf: {  	[dreg:$0x3] =	wrdreg s2  }
0xb0: {  	[dreg:$0x4] =	wrdreg $0x9C00  }
0xb1: {  	[dreg:$0x5] =	wrdreg $0x9800  }
0xb2: {  	[dreg:$0x6] =	wrdreg $0x9  }
0xb3: {  	_ =	task.clear_ibuf [dreg:s7], $0x7FFFF;
	_ =	strace $0x90000046  }
0xb4: {  	s29 =	simm.s32 $0x9;
	_ =	strace $0x80000048  }
0xb5: {  	_ =	swait.ge [sflag:s29], $0x1  }
0xb6: {  	[sflag:s29] =	ssyncadd.s32 $0xFFFFFFFF  }
0xb7: {  	_ =	strace $0x90000048  }
0xb8: {  	_ =	sfence  }
0xb9: {  	s30 =	sld [smem:$0x0];
	_ =	sdelay $0x2  }
0xba: {  	s31 =	sshll.u32 s1, $0xD;
	s1 =	sshrl.u32 s1, $0x2  }
0xbb: {  	s3 =	sand.u32 $0x4000, s31;
	s1 =	sadd.s32 s1, s30  }
0xbc: {  	s0 =	sor.u32 s3, s0;
	s1 =	sshll.u32 s1, $0x11  }
0xbd: {  	s0 =	sor.u32 s1, s0  }
0xbe: {  	s0 =	sadd.s32 $0x8F2B, s0  }
0xbf: {  	[sflag:s0] =	ssyncadd.remote.s32 $0x1  }
0xc0: {  	_ =	sfence.sel $0xFFFF  }
0xc1: {  	[dreg:$0x0] =	wrdreg $0xFFFFFFFF;
	(pc) =	sbr.abs _section_cstart, $3  }
0xc2: {  	[dreg:$0x1] =	wrdreg $0xFFFFFFFF  }
0xc3: {  	_ =	task.clear_ibuf [dreg:s7], $0x2FFFF;
	_ =	strace $0x9FFFFFFF  }
0xc4: {  	(tm) =	ssettm $0x7FFFFFFF  }
0xc5: {  	_ =	shalt  }
tec
execute0_lowered:
.L_overlay_start_1:
0x0: {  	(tag) =	ssettag $0x1  }
0x1: {  	v0 =	vimm.s32 $0x76543210  }
0x2: {  	v2 =	vimm.s32 $0xFEDCBA98;
	v4 =	vimm.s32 $0x32107654;
	v5 =	vimm.s32 $0xDCFE98BA  }
0x3: {  	v6 =	vimm.s32 $0x54761032;
	v7 =	vimm.s32 $0xEFCDAB89;
	v8 =	vimm.s32 $0x67452301  }
0x4: {  	vm0 =	vmxor vm0, vm0;
	vm1 =	vcmask $0x3F30;
	vm2 =	vcmask $0x1F10  }
0x5: {  	vm3 =	vcmask $0x704;
	vm4 =	vcmask $0x1F18;
	vm5 =	vcmask $0xF08  }
0x6: {  	vm7 =	vcmask $0x3F3C;
	v1 =	vunpack.c.l.s4.s8 v0;
	v4 =	vunpack.c.l.s4.s8 v4  }
0x7: {  	v5 =	vunpack.c.l.s4.s8 v5;
	v6 =	vunpack.c.l.s4.s8 v6;
	v7 =	vunpack.c.l.s4.s8 v7  }
0x8: {  	s0 =	stileid.u32;
	v8 =	vunpack.c.l.s4.s8 v8;
	vm1 =	vmor vm2, vm1;
	vm2 =	vcmask $0xF0C  }
0x9: {  	s11 =	sand.u32 $0x1, s0;
	vm4 =	vmor vm5, vm4;
	vm5 =	vcmask $0x2F28;
	vm2 =	vmor vm3, vm2  }
0xa: {  	s3 =	sshll.u32 s11, $0xB;
	vm3 =	vcmask $0x1714;
	vm4 =	vmor vm4, vm5;
	vm5 =	vcmask $0x3F38  }
0xb: {  	v0 =	vmov s3;
	v3 =	vunpack.c.0.s8.s32 v1;
	v1 =	vunpack.c.l.s4.s8 v2  }
0xc: {  	v2 =	vimm.s32 $0xBA98FEDC;
	v4 =	vunpack.c.0.s8.s32 v4;
	v5 =	vunpack.c.0.s8.s32 v5  }
0xd: {  	s4 =	rddreg [dreg:$0x0];
	v6 =	vunpack.c.0.s8.s32 v6;
	v7 =	vunpack.c.0.s8.s32 v7;
	v8 =	vunpack.c.0.s8.s32 v8  }
0xe: {  	s8 =	rddreg [dreg:$0x1];
	vm2 =	vmor vm2, vm3;
	vm3 =	vcmask $0x1F1C;
	v2 =	vunpack.c.l.s4.s8 v2  }
0xf: {  	s1 =	srdreg.scid;
	s7 =	rddreg [dreg:$0x2];
	vm2 =	vmor vm2, vm3;
	vm3 =	vcmask $0x2724;
	v9 =	vunpack.c.0.s8.s32 v1  }
0x10: {  	s6 =	rddreg [dreg:$0x3];
	s13 =	simm.s32 $0x900;
	s14 =	simm.s32 $0x0;
	v5 =	vcombine.low v6, v5;
	v1 =	vlaneseq.u32;
	v7 =	vcombine.low v8, v7  }
0x11: {  	s5 =	sand.u32 $0x1, s1;
	s2 =	sshrl.u32 s0, $0x1;
	s31 =	sshll.u32 s0, $0x6;
	vm2 =	vmor vm2, vm3;
	vm3 =	vcmask $0x2F2C;
	v2 =	vunpack.c.0.s8.s32 v2  }
0x12: {  	s1 =	sshll.u32 s5, $0x3;
	s5 =	ssub.s32 $0x2, s5;
	s12 =	sor.u32 $0x40, s31;
	v14 =	vor.u32 $0x70, v1;
	v15 =	vor.u32 $0x60, v1;
	v16 =	vor.u32 $0x50, v1  }
0x13: {  	p0 =	sne.s32 s11, $0x0;
	s11 =	simm.s32 $0x800;
	s9 =	sor.u32 s2, s1;
	v17 =	vor.u32 $0x40, v1;
	v18 =	vor.u32 $0x30, v1;
	v19 =	vor.u32 $0x20, v1  }
0x14: {  	s1 =	rddreg [dreg:$0x4];
	s2 =	simm.s32 $0x0;
	s30 =	sshrl.u32 s5, $0x1;
	v20 =	vor.u32 $0x10, v1;
	vm2 =	vmor vm2, vm3;
	vm3 =	vcmask $0x3734  }
0x15: {  	s10 =	sshll.u32 s9, $0xC;
	[smem:$0x7FF] =	sst s2;
	s9 =	sshll.u32 s9, $0x3;
	v6 =	vand.u32 $0xF, v9;
	v5 =	vand.u32 $0xF, v5;
	vm6 =	vmor vm2, vm3  }
.Ltmp0:
0x16: {  	s3 =	sor.u32 s3, s10;
	_ =	strace $0x80000047;
	vm2 =	vmor vm4, vm5;
	v4 =	vcombine.low v4, v2;
	v2 =	vmul.u32 $0x10, v1;
	(pc) =	sbr.rel .LBB2_1-.Ltmp0, $4  }
0x17: {  	s10 =	ssub.s32 s5, s30;
	s5 =	sadd.s32 s31, s6;
	s6 =	sadd.s32 s12, s6;
	vm3 =	vcmask $0x3F20;
	v3 =	vcombine.low v6, v3;
	v6 =	vand.u32 $0xF, v7  }
0x18: {  	s8 =	sadd.s32 s8, s9;
	s3 =	sshrl.u32 s3, $0x3;
	s9 =	smax.u32 s10, $0x1;
	vm4 =	vmor vm6, vm7;
	v4 =	vand.u32 $0xF, v4;
	v7 =	vor.u32 $0x100, v2  }
0x19: {  	s10 =	simm.s32 $0x1;
	s3 =	sadd.s32 s3, s4;
	s4 =	sadd.s32 s31, s7;
	v8 =	vor.u32 $0x200, v2;
	v9 =	vor.u32 $0x300, v2;
	v10 =	vor.u32 $0x400, v2  }
0x1a: {  	s7 =	sadd.s32 s12, s7;
	s12 =	simm.s32 $0x880;
	s3 =	sadd.s32 $0xC00, s3;
	v11 =	vor.u32 $0x500, v2;
	v12 =	vor.u32 $0x600, v2;
	v13 =	vor.u32 $0x700, v2  }
.LBB2_7:
0x1b: {  	s14 =	sadd.s32 $0x1, s14  }
0x1c: {  	p1 =	sne.s32 s14, s9  }
.Ltmp1:
0x1d: {  	_ = 	snop;
	(pc) =	sbr.rel @!p1 .LBB2_8-.Ltmp1, $1  }
0x1e: {  	_ =	sdelay $0x3  }
.LBB2_1:
0x1f: {  	[tilespmem:s2], [sflag:$0x1] =	stream.linear.gather [hbm4b:s3+s2], $0x800, $0x38;
	[tilespmem:$0xA00] =	vst v63  }
0x20: {  	_ =	swait.ge [sflag:s10], $0x800  }
0x21: {  	[sflag:s10] =	ssyncset.done $0x0  }
0x22: {  	s15 =	simm.s32 $0x40;
	[sflag:s10] =	ssyncadd.s32 $0xFFFFF800  }
0x23: {  	v21 =	vld [tilespmem:s15+$0xFFFFFFC0];
	_ =	sdelay $0x1  }
0x24: {  	v22 =	vld [tilespmem:s15+$0xFFFFFFD0];
	_ =	sdelay $0x1  }
0x25: {  	v23 =	vimm.f32 $-2.000000000e+00;
	v25 =	vld [tilespmem:s15+$0xFFFFFFE0]  }
0x26: {  	vm5 =	vgt.f32 v21, v23  }
0x27: {  	v26 =	vld [tilespmem:s15+$0xFFFFFFF0];
	v21 =	vsel vm5, v21, v23  }
0x28: {  	vm6 =	vgt.f32 v22, v21  }
0x29: {  	v24 =	vimm.s32 $0x0;
	v27 =	vld [tilespmem:s15+$0x0];
	v21 =	vsel vm6, v22, v21  }
0x2a: {  	s16 =	simm.s32 $0x1;
	v22 =	vsel vm5, s2, v24;
	vm7 =	vgt.f32 v25, v21  }
0x2b: {  	s28 =	simm.s32 $0x2;
	v22 =	vsel vm6, s16, v22;
	v21 =	vsel vm7, v25, v21;
	v25 =	vld [tilespmem:s15+$0x10]  }
0x2c: {  	s29 =	simm.s32 $0x3;
	v22 =	vsel vm7, s28, v22;
	vm5 =	vgt.f32 v26, v21  }
0x2d: {  	v21 =	vsel vm5, v26, v21;
	v26 =	vsel vm5, s29, v22;
	v22 =	vld [tilespmem:s15+$0x20]  }
0x2e: {  	vm6 =	vgt.f32 v27, v21  }
0x2f: {  	s30 =	simm.s32 $0x4;
	v27 =	vsel vm6, v27, v21;
	v21 =	vld [tilespmem:s15+$0x30]  }
0x30: {  	s31 =	simm.s32 $0x5;
	s17 =	simm.s32 $0xC0;
	v28 =	vsel vm6, s30, v26;
	vm5 =	vgt.f32 v25, v27  }
0x31: {  	s18 =	simm.s32 $0x10;
	s16 =	simm.s32 $0x0;
	s15 =	simm.s32 $0x8;
	v26 =	vld [tilespmem:s17+$0xFFFFFFC0];
	v27 =	vsel vm5, v25, v27;
	v25 =	vsel vm5, s31, v28  }
.LBB2_2:
0x32: {  	p1 =	slt.u32 s18, $0x78;
	vm5 =	vgt.f32 v22, v27;
	s19 =	sadd.s32 $0x6, s16  }
0x33: {  	v28 =	vld [tilespmem:s17+$0xFFFFFFD0];
	v22 =	vsel vm5, v22, v27;
	v25 =	vsel vm5, s19, v25  }
0x34: {  	s19 =	sadd.s32 $0x7, s16;
	s16 =	smov.u32 s15;
	s15 =	smov.u32 s18;
	vm5 =	vgt.f32 v21, v22  }
0x35: {  	v27 =	vld [tilespmem:s17+$0xFFFFFFE0];
	v21 =	vsel vm5, v21, v22;
	v22 =	vsel vm5, s19, v25  }
0x36: {  	vm5 =	vgt.f32 v26, v21  }
0x37: {  	v21 =	vsel vm5, v26, v21;
	v22 =	vsel vm5, s16, v22;
	v25 =	vld [tilespmem:s17+$0xFFFFFFF0]  }
0x38: {  	s19 =	sadd.s32 $0x1, s16;
	vm5 =	vgt.f32 v28, v21  }
0x39: {  	v21 =	vsel vm5, v28, v21;
	v22 =	vsel vm5, s19, v22;
	v26 =	vld [tilespmem:s17+$0x0]  }
0x3a: {  	s19 =	sadd.s32 $0x2, s16;
	vm5 =	vgt.f32 v27, v21  }
0x3b: {  	v21 =	vsel vm5, v27, v21;
	v22 =	vsel vm5, s19, v22;
	v27 =	vld [tilespmem:s17+$0x10]  }
0x3c: {  	s19 =	sadd.s32 $0x3, s16;
	vm5 =	vgt.f32 v25, v21  }
.Ltmp2:
0x3d: {  	v21 =	vsel vm5, v25, v21;
	v25 =	vsel vm5, s19, v22;
	v22 =	vld [tilespmem:s17+$0x20];
	(pc) =	sbr.rel @p1 .LBB2_2-.Ltmp2, $4  }
0x3e: {  	s19 =	sadd.s32 $0x4, s16;
	vm5 =	vgt.f32 v26, v21  }
0x3f: {  	v28 =	vsel vm5, v26, v21;
	v25 =	vsel vm5, s19, v25;
	v21 =	vld [tilespmem:s17+$0x30]  }
0x40: {  	s19 =	sadd.s32 $0x5, s16;
	s17 =	sadd.s32 $0x80, s17;
	vm5 =	vgt.f32 v27, v28  }
0x41: {  	s18 =	sadd.s32 $0x8, s18;
	v26 =	vld [tilespmem:s17+$0xFFFFFFC0];
	v27 =	vsel vm5, v27, v28;
	v25 =	vsel vm5, s19, v25  }
0x42: {  	vm5 =	vgt.f32 v22, v27  }
0x43: {  	v28 =	vld [tilespmem:s17+$0xFFFFFFD0];
	v22 =	vsel vm5, v22, v27  }
0x44: {  	vm6 =	vgt.f32 v21, v22  }
0x45: {  	v27 =	vld [tilespmem:s17+$0xFFFFFFE0];
	v21 =	vsel vm6, v21, v22  }
0x46: {  	vm7 =	vgt.f32 v26, v21  }
0x47: {  	v22 =	vld [tilespmem:s17+$0xFFFFFFF0];
	v21 =	vsel vm7, v26, v21  }
0x48: {  	vm8 =	vgt.f32 v28, v21  }
0x49: {  	v26 =	vld [tilespmem:s17+$0x0];
	v21 =	vsel vm8, v28, v21  }
0x4a: {  	vm9 =	vgt.f32 v27, v21  }
0x4b: {  	v21 =	vsel vm9, v27, v21;
	v27 =	vld [tilespmem:s17+$0x10]  }
0x4c: {  	vm10 =	vgt.f32 v22, v21  }
0x4d: {  	v21 =	vsel vm10, v22, v21;
	v22 =	vld [tilespmem:s17+$0x20]  }
0x4e: {  	vm11 =	vgt.f32 v26, v21  }
0x4f: {  	v21 =	vsel vm11, v26, v21;
	v26 =	vld [tilespmem:s17+$0x30]  }
0x50: {  	vm12 =	vgt.f32 v27, v21  }
0x51: {  	v21 =	vsel vm12, v27, v21  }
0x52: {  	vm13 =	vgt.f32 v22, v21  }
0x53: {  	v21 =	vsel vm13, v22, v21  }
0x54: {  	vm14 =	vgt.f32 v26, v21  }
0x55: {  	v26 =	vsel vm14, v26, v21  }
0x56: {  	s31 =	sadd.s32 $0x6, s16;
	v21 =	vperm.xlane v26, v3  }
0x57: {  	s18 =	sadd.s32 $0x7, s16;
	v22 =	vsel vm5, s31, v25  }
0x58: {  	v22 =	vsel vm6, s18, v22;
	v21 =	vmax.f32 v26, v21  }
0x59: {  	s19 =	sadd.s32 $0x1, s15;
	v22 =	vsel vm7, s15, v22;
	v25 =	vperm.xlane v21, v4  }
0x5a: {  	s20 =	sadd.s32 $0x2, s15;
	v22 =	vsel vm8, s19, v22  }
0x5b: {  	s21 =	sadd.s32 $0x3, s15;
	v22 =	vsel vm9, s20, v22;
	v21 =	vmax.f32 v21, v25  }
0x5c: {  	s22 =	sadd.s32 $0x4, s15;
	v22 =	vsel vm10, s21, v22;
	v25 =	vperm.xlane v21, v5  }
0x5d: {  	s23 =	sadd.s32 $0x5, s15;
	v22 =	vsel vm11, s22, v22  }
0x5e: {  	s24 =	sadd.s32 $0x6, s15;
	v22 =	vsel vm12, s23, v22;
	v25 =	vmax.f32 v21, v25  }
0x5f: {  	s25 =	sadd.s32 $0x7, s15;
	v21 =	vsel vm13, s24, v22;
	v22 =	vperm.xlane v25, v6  }
0x60: {  	v21 =	vsel vm14, s25, v21  }
0x61: {  	v31 =	vmax.f32 v25, v22;
	v22 =	vshll.u32 v21, $0x4  }
0x62: {  	v22 =	vor.u32 v1, v22;
	vm5 =	veq.f32 v26, v31  }
0x63: {  	v22 =	vnsel vm5, $0x800, v22  }
0x64: {  	v25 =	vperm.xlane v22, v3;
	_ =	sdelay $0x1  }
0x65: {  	vm5 =	vlt.s32 v22, v25  }
0x66: {  	v22 =	vsel vm5, v22, v25  }
0x67: {  	v25 =	vperm.xlane v22, v4;
	_ =	sdelay $0x1  }
0x68: {  	vm5 =	vlt.s32 v22, v25  }
0x69: {  	v22 =	vsel vm5, v22, v25  }
0x6a: {  	v25 =	vperm.xlane v22, v5;
	_ =	sdelay $0x1  }
0x6b: {  	vm5 =	vlt.s32 v22, v25  }
0x6c: {  	v22 =	vsel vm5, v22, v25  }
0x6d: {  	v25 =	vperm.xlane v22, v6;
	_ =	sdelay $0x1  }
0x6e: {  	vm5 =	vlt.s32 v22, v25  }
0x6f: {  	v25 =	vsel vm5, v22, v25  }
0x70: {  	(v2sf) =	vpush v25, $0x0;
	_ =	sdelay $0xe  }
0x71: {  	s26 =	spop (v2sf)  }
0x72: {  	s28 =	sshra.s32 s26, $0x1F  }
0x73: {  	s16 =	sshrl.u32 s28, $0x1C  }
0x74: {  	s16 =	sadd.s32 s16, s26  }
0x75: {  	s16 =	sand.u32 $0xFFFFFFF0, s16  }
0x76: {  	v22 =	vld [tilespmem:s16+$0x0]  }
0x77: {  	s15 =	ssub.s32 s26, s16  }
0x78: {  	v27 =	vadd.s32 s15, v2  }
0x79: {  	v28 =	vmov s15;
	v29 =	vadd.s32 s15, v7  }
0x7a: {  	vm5 =	veq.s32 v28, v1;
	v28 =	vadd.s32 s15, v8  }
0x7b: {  	v30 =	vadd.s32 s15, v9;
	v22 =	vsel vm5, $0xC0000000, v22  }
0x7c: {  	[tilespmem:s16+$0x0] =	vst v22;
	v22 =	vadd.s32 s15, v10  }
0x7d: {  	v32 =	vadd.s32 s15, v11;
	v27 =	vld.idx.msk [tilespmem:v27+s2+$0x0], $0xffff  }
0x7e: {  	v33 =	vadd.s32 s15, v12;
	v29 =	vld.idx.msk [tilespmem:v29+s2+$0x0], $0xffff  }
0x7f: {  	v34 =	vadd.s32 s15, v13;
	v28 =	vld.idx.msk [tilespmem:v28+s2+$0x0], $0xffff  }
0x80: {  	v30 =	vld.idx.msk [tilespmem:v30+s2+$0x0], $0xffff  }
0x81: {  	v22 =	vld.idx.msk [tilespmem:v22+s2+$0x0], $0xffff  }
0x82: {  	v32 =	vld.idx.msk [tilespmem:v32+s2+$0x0], $0xffff;
	v35 =	vmax.f32 v27, $-2.000000000e+00  }
0x83: {  	v33 =	vld.idx.msk [tilespmem:v33+s2+$0x0], $0xffff;
	v35 =	vmax.f32 v35, v29  }
0x84: {  	v34 =	vld.idx.msk [tilespmem:v34+s2+$0x0], $0xffff;
	v35 =	vmax.f32 v35, v28  }
0x85: {  	v35 =	vmax.f32 v35, v30  }
0x86: {  	v35 =	vmax.f32 v35, v22  }
0x87: {  	v35 =	vmax.f32 v35, v32  }
0x88: {  	v35 =	vmax.f32 v35, v33  }
0x89: {  	v35 =	vmax.f32 v35, v34  }
0x8a: {  	v36 =	vperm.xlane v35, v3;
	_ =	sdelay $0x1  }
0x8b: {  	v35 =	vmax.f32 v35, v36  }
0x8c: {  	v36 =	vperm.xlane v35, v4;
	_ =	sdelay $0x1  }
0x8d: {  	v35 =	vmax.f32 v35, v36  }
0x8e: {  	v36 =	vperm.xlane v35, v5;
	_ =	sdelay $0x1  }
0x8f: {  	v35 =	vmax.f32 v35, v36  }
0x90: {  	v36 =	vperm.xlane v35, v6;
	_ =	sdelay $0x1  }
0x91: {  	v35 =	vmax.f32 v35, v36  }
0x92: {  	vm6 =	veq.f32 v34, v35  }
0x93: {  	vm7 =	veq.f32 v33, v35;
	v57 =	vnsel vm6, $0x800, v14  }
0x94: {  	vm6 =	veq.f32 v32, v35;
	v58 =	vsel vm7, v15, v57  }
0x95: {  	vm7 =	veq.f32 v22, v35;
	v22 =	vsel vm6, v16, v58  }
0x96: {  	vm6 =	veq.f32 v30, v35;
	v22 =	vsel vm7, v17, v22  }
0x97: {  	vm7 =	veq.f32 v28, v35;
	v22 =	vsel vm6, v18, v22  }
0x98: {  	vm6 =	veq.f32 v29, v35;
	v22 =	vsel vm7, v19, v22  }
0x99: {  	vm7 =	veq.f32 v27, v35;
	v22 =	vsel vm6, v20, v22  }
0x9a: {  	v22 =	vsel vm7, v1, v22  }
0x9b: {  	v27 =	vperm.xlane v22, v3  }
0x9c: {  	s29 =	simm.s32 $0x0;
	v30 =	vsel vm5, v35, v26  }
0x9d: {  	p2 =	por $0x0, $0x0;
	vm9 =	vmmov vm0;
	s15 =	sand.u32 $0xF, s29;
	v26 =	vperm.xlane v30, v3;
	vm7 =	vlt.s32 v22, v27  }
0x9e: {  	vm9 =	vmneg @p2 vm9;
	v28 =	vmov s15;
	v27 =	vsel vm7, v22, v27  }
0x9f: {  	vm13 =	veq.s32 v28, v1;
	v26 =	vmax.f32 v30, v26;
	v28 =	vperm.xlane v27, v4  }
0xa0: {  	vm11 =	vmmov vm0;
	v25 =	vbroadcast v25, $0x0;
	v60 =	vperm.xlane v26, v4  }
0xa1: {  	p1 =	por $0x1, $0x1;
	vm9 =	vmand vm9, vm13;
	vm6 =	vmmov vm0;
	vm14 =	vlt.s32 v27, v28  }
0xa2: {  	vm6 =	vmneg @p1 vm6;
	v33 =	vmax.f32 v26, v60;
	v27 =	vsel vm14, v27, v28  }
0xa3: {  	vm6 =	vmand vm6, vm13;
	v62 =	vperm.xlane v33, v5;
	v59 =	vperm.xlane v27, v5  }
0xa4: {  	p1 =	por $0x0, $0x0;
	v29 =	vsel vm6, v25, v24;
	v22 =	vsel vm6, v31, v23;
	vm7 =	vmmov vm0  }
0xa5: {  	v32 =	vmax.f32 v33, v62;
	vm7 =	vmneg @p1 vm7;
	p1 =	por $0x0, $0x0;
	vm6 =	vlt.s32 v27, v59  }
0xa6: {  	v33 =	vperm.xlane v32, v6;
	vm11 =	vmneg @p1 vm11;
	v61 =	vsel vm6, v27, v59  }
0xa7: {  	vm7 =	vmand vm7, vm13;
	vm15 =	vmand vm11, vm13;
	v63 =	vperm.xlane v61, v6  }
0xa8: {  	s30 =	simm.s32 $0x1;
	v28 =	vsel vm9, v25, v24;
	v26 =	vsel vm15, v25, v24;
	v24 =	vsel vm7, v25, v24  }
0xa9: {  	p4 =	por $0x1, $0x1;
	p3 =	por $0x0, $0x0;
	s31 =	sand.u32 $0xF, s30;
	v25 =	vsel vm15, v31, v23;
	v27 =	vsel vm9, v31, v23;
	vm6 =	vlt.s32 v61, v63  }
0xaa: {  	p2 =	por $0x0, $0x0;
	s16 =	simm.s32 $0x0;
	s15 =	simm.s32 $0x2;
	v23 =	vsel vm7, v31, v23;
	v31 =	vmov s31;
	v34 =	vsel vm6, v61, v63  }
.LBB2_4:
0xab: {  	p1 =	sne.s32 s15, $0x3F;
	vm6 =	veq.s32 v31, v1;
	vm7 =	vmmov vm0;
	v21 =	vsel vm5, v34, v21  }
0xac: {  	vm7 =	vmneg @p4 vm7;
	p4 =	seq.s32 s16, $0x3;
	s16 =	smov.u32 s15;
	s15 =	sadd.s32 $0x1, s15;
	v31 =	vmax.f32 v32, v33;
	v32 =	vshll.u32 v21, $0x4  }
0xad: {  	vm5 =	vmand vm7, vm6;
	v32 =	vor.u32 v1, v32;
	vm7 =	veq.f32 v30, v31  }
0xae: {  	v22 =	vsel vm5, v31, v22;
	v32 =	vnsel vm7, $0x800, v32;
	vm7 =	vmmov vm0  }
0xaf: {  	vm7 =	vmneg @p4 vm7;
	v33 =	vperm.xlane v32, v3;
	_ =	sdelay $0x1  }
0xb0: {  	vm8 =	vlt.s32 v32, v33  }
0xb1: {  	v32 =	vsel vm8, v32, v33  }
0xb2: {  	v33 =	vperm.xlane v32, v4;
	_ =	sdelay $0x1  }
0xb3: {  	vm8 =	vlt.s32 v32, v33  }
0xb4: {  	v32 =	vsel vm8, v32, v33  }
0xb5: {  	v33 =	vperm.xlane v32, v5;
	_ =	sdelay $0x1  }
0xb6: {  	vm8 =	vlt.s32 v32, v33  }
0xb7: {  	v32 =	vsel vm8, v32, v33  }
0xb8: {  	v33 =	vperm.xlane v32, v6;
	_ =	sdelay $0x1  }
0xb9: {  	vm8 =	vlt.s32 v32, v33  }
0xba: {  	v32 =	vsel vm8, v32, v33;
	vm8 =	vmmov vm0  }
0xbb: {  	vm9 =	vmmov vm0;
	vm8 =	vmneg @p3 vm8  }
0xbc: {  	vm9 =	vmneg @p2 vm9;
	v33 =	vbroadcast v32, $0x0;
	(v2sf) =	vpush v32, $0x0  }
0xbd: {  	vm9 =	vmand vm9, vm6;
	vm8 =	vmand vm8, vm6;
	vm6 =	vmand vm7, vm6  }
0xbe: {  	v29 =	vsel vm5, v33, v29;
	v28 =	vsel vm8, v33, v28;
	v26 =	vsel vm9, v33, v26  }
0xbf: {  	v25 =	vsel vm9, v31, v25;
	v24 =	vsel vm6, v33, v24;
	v27 =	vsel vm8, v31, v27  }
0xc0: {  	v23 =	vsel vm6, v31, v23;
	_ =	sdelay $0xa  }
0xc1: {  	s17 =	spop (v2sf)  }
0xc2: {  	s18 =	sshra.s32 s17, $0x1F  }
0xc3: {  	s18 =	sshrl.u32 s18, $0x1C  }
0xc4: {  	s18 =	sadd.s32 s18, s17  }
0xc5: {  	s18 =	sand.u32 $0xFFFFFFF0, s18  }
0xc6: {  	s17 =	ssub.s32 s17, s18;
	v31 =	vld [tilespmem:s18+$0x0]  }
0xc7: {  	v32 =	vmov s17  }
0xc8: {  	v33 =	vadd.s32 s17, v2  }
0xc9: {  	v34 =	vadd.s32 s17, v7  }
0xca: {  	vm5 =	veq.s32 v32, v1;
	v32 =	vadd.s32 s17, v8  }
0xcb: {  	v35 =	vadd.s32 s17, v9;
	v31 =	vsel vm5, $0xC0000000, v31  }
0xcc: {  	[tilespmem:s18+$0x0] =	vst v31;
	v31 =	vadd.s32 s17, v10  }
0xcd: {  	v36 =	vadd.s32 s17, v11;
	v33 =	vld.idx.msk [tilespmem:v33+s2+$0x0], $0xffff  }
0xce: {  	v37 =	vadd.s32 s17, v12;
	v34 =	vld.idx.msk [tilespmem:v34+s2+$0x0], $0xffff  }
0xcf: {  	v38 =	vadd.s32 s17, v13;
	v32 =	vld.idx.msk [tilespmem:v32+s2+$0x0], $0xffff  }
0xd0: {  	v35 =	vld.idx.msk [tilespmem:v35+s2+$0x0], $0xffff  }
0xd1: {  	v31 =	vld.idx.msk [tilespmem:v31+s2+$0x0], $0xffff  }
0xd2: {  	v36 =	vld.idx.msk [tilespmem:v36+s2+$0x0], $0xffff  }
0xd3: {  	v39 =	vmax.f32 v33, $-2.000000000e+00;
	v37 =	vld.idx.msk [tilespmem:v37+s2+$0x0], $0xffff  }
0xd4: {  	v39 =	vmax.f32 v39, v34;
	v38 =	vld.idx.msk [tilespmem:v38+s2+$0x0], $0xffff  }
0xd5: {  	v39 =	vmax.f32 v39, v32  }
0xd6: {  	v39 =	vmax.f32 v39, v35  }
0xd7: {  	v39 =	vmax.f32 v39, v31  }
0xd8: {  	v39 =	vmax.f32 v39, v36  }
0xd9: {  	v39 =	vmax.f32 v39, v37  }
0xda: {  	v39 =	vmax.f32 v39, v38  }
0xdb: {  	v40 =	vperm.xlane v39, v3;
	_ =	sdelay $0x1  }
0xdc: {  	v39 =	vmax.f32 v39, v40  }
0xdd: {  	v40 =	vperm.xlane v39, v4;
	_ =	sdelay $0x1  }
0xde: {  	v39 =	vmax.f32 v39, v40  }
0xdf: {  	v40 =	vperm.xlane v39, v5;
	_ =	sdelay $0x1  }
0xe0: {  	v39 =	vmax.f32 v39, v40  }
0xe1: {  	v40 =	vperm.xlane v39, v6;
	_ =	sdelay $0x1  }
0xe2: {  	v39 =	vmax.f32 v39, v40  }
0xe3: {  	vm6 =	veq.f32 v32, v39;
	vm7 =	veq.f32 v35, v39;
	vm8 =	veq.f32 v38, v39  }
0xe4: {  	vm9 =	veq.f32 v34, v39;
	vm10 =	veq.f32 v37, v39;
	v32 =	vnsel vm8, $0x800, v14  }
0xe5: {  	vm11 =	veq.f32 v36, v39;
	vm8 =	veq.f32 v33, v39;
	v32 =	vsel vm10, v15, v32  }
0xe6: {  	v30 =	vsel vm5, v39, v30;
	vm10 =	veq.f32 v31, v39;
	v31 =	vsel vm11, v16, v32  }
0xe7: {  	v31 =	vsel vm10, v17, v31  }
0xe8: {  	v31 =	vsel vm7, v18, v31  }
0xe9: {  	v31 =	vsel vm6, v19, v31  }
0xea: {  	v31 =	vsel vm9, v20, v31  }
0xeb: {  	v31 =	vsel vm8, v1, v31  }
0xec: {  	v32 =	vperm.xlane v31, v3;
	_ =	sdelay $0x1  }
0xed: {  	vm6 =	vlt.s32 v31, v32  }
0xee: {  	v31 =	vsel vm6, v31, v32  }
0xef: {  	v32 =	vperm.xlane v31, v4;
	_ =	sdelay $0x1  }
0xf0: {  	v33 =	vperm.xlane v30, v3;
	vm6 =	vlt.s32 v31, v32  }
0xf1: {  	v31 =	vsel vm6, v31, v32  }
0xf2: {  	v32 =	vmax.f32 v30, v33;
	v33 =	vperm.xlane v31, v5  }
0xf3: {  	v34 =	vperm.xlane v32, v4  }
0xf4: {  	vm6 =	vlt.s32 v31, v33  }
.Ltmp3:
0xf5: {  	v32 =	vmax.f32 v32, v34;
	v34 =	vsel vm6, v31, v33;
	(pc) =	sbr.rel @p1 .LBB2_4-.Ltmp3, $3  }
0xf6: {  	v31 =	vperm.xlane v32, v5;
	v35 =	vperm.xlane v34, v6;
	_ =	sdelay $0x1  }
0xf7: {  	s17 =	sand.u32 $0xF, s16;
	s16 =	sshrl.u32 s16, $0x4;
	v32 =	vmax.f32 v32, v31;
	vm6 =	vlt.s32 v34, v35  }
0xf8: {  	p4 =	seq.s32 s16, $0x0;
	p3 =	seq.s32 s16, $0x1;
	p2 =	seq.s32 s16, $0x2;
	v31 =	vmov s17;
	v33 =	vperm.xlane v32, v6;
	v34 =	vsel vm6, v34, v35  }
0xf9: {  	v21 =	vsel vm5, v34, v21  }
0xfa: {  	v32 =	vmax.f32 v32, v33;
	v21 =	vshll.u32 v21, $0x4  }
0xfb: {  	v21 =	vor.u32 v1, v21;
	vm5 =	veq.f32 v30, v32  }
0xfc: {  	v21 =	vnsel vm5, $0x800, v21  }
0xfd: {  	v30 =	vperm.xlane v21, v3;
	_ =	sdelay $0x1  }
0xfe: {  	vm5 =	vlt.s32 v21, v30  }
0xff: {  	v21 =	vsel vm5, v21, v30  }
0x100: {  	v30 =	vperm.xlane v21, v4;
	_ =	sdelay $0x1  }
0x101: {  	vm5 =	vlt.s32 v21, v30  }
0x102: {  	v21 =	vsel vm5, v21, v30  }
0x103: {  	v30 =	vperm.xlane v21, v5;
	_ =	sdelay $0x1  }
0x104: {  	vm5 =	vlt.s32 v21, v30  }
0x105: {  	v21 =	vsel vm5, v21, v30  }
0x106: {  	v30 =	vperm.xlane v21, v6;
	_ =	sdelay $0x1  }
0x107: {  	vm5 =	vlt.s32 v21, v30  }
0x108: {  	v21 =	vsel vm5, v21, v30  }
0x109: {  	(v2sf) =	vpush v21, $0x0;
	_ =	sdelay $0xe  }
0x10a: {  	s15 =	spop (v2sf)  }
0x10b: {  	s17 =	sshra.s32 s15, $0x1F  }
0x10c: {  	s17 =	sshrl.u32 s17, $0x1C  }
0x10d: {  	s17 =	sadd.s32 s17, s15  }
0x10e: {  	s17 =	sand.u32 $0xFFFFFFF0, s17  }
0x10f: {  	v30 =	vld [tilespmem:s17+$0x0];
	_ =	sdelay $0x1  }
0x110: {  	vm6 =	veq.s32 v31, v1;
	vm5 =	vmmov vm0;
	s15 =	ssub.s32 s15, s17  }
0x111: {  	vm5 =	vmneg @p4 vm5;
	v31 =	vbroadcast v21, $0x0;
	v63 =	vmov s15  }
0x112: {  	vm7 =	vmmov vm0;
	vm5 =	vmand vm5, vm6;
	vm8 =	veq.s32 v63, v1  }
0x113: {  	vm7 =	vmneg @p3 vm7;
	v21 =	vsel vm5, v31, v29;
	v29 =	vsel vm8, $0xC0000000, v30  }
0x114: {  	vm7 =	vmand vm7, vm6;
	vm8 =	vmmov vm0;
	[tilespmem:s17+$0x0] =	vst v29;
	v29 =	vadd.s32 v0, v21  }
0x115: {  	v30 =	vsel vm5, v32, v22;
	vm8 =	vmneg @p2 vm8;
	v21 =	vsel vm7, v31, v28;
	[tilespmem:$0x800] =	vst v29  }
0x116: {  	p1 =	seq.s32 s16, $0x3;
	vm5 =	vmmov vm0;
	vm8 =	vmand vm8, vm6;
	v21 =	vadd.s32 v0, v21;
	[tilespmem:$0x880] =	vst v30  }
0x117: {  	vm5 =	vmneg @p1 vm5;
	v22 =	vsel vm8, v31, v26;
	v26 =	vsel vm7, v32, v27;
	[tilespmem:$0x810] =	vst v21  }
0x118: {  	vm5 =	vmand vm5, vm6;
	v25 =	vsel vm8, v32, v25;
	[tilespmem:$0x890] =	vst v26  }
0x119: {  	v23 =	vsel vm5, v32, v23;
	[tilespmem:$0x8A0] =	vst v25  }
0x11a: {  	v24 =	vsel vm5, v31, v24;
	v22 =	vadd.s32 v0, v22;
	[tilespmem:$0x8B0] =	vst v23  }
0x11b: {  	v24 =	vadd.s32 v0, v24;
	[tilespmem:$0x820] =	vst v22  }
0x11c: {  	[tilespmem:$0x830] =	vst v24  }
0x11d: {  	[spmem:s4] =	stream.linear.scatter [tilespmem:s11], [sflag:$0x1], $0x40, $0x38;
	[tilespmem:$0xA00] =	vst v63  }
0x11e: {  	_ =	swait.ge [sflag:s10], $0x40  }
0x11f: {  	[sflag:s10] =	ssyncset.done $0x0  }
0x120: {  	[sflag:s10] =	ssyncadd.s32 $0xFFFFFFC0  }
0x121: {  	[spmem:s5] =	stream.linear.scatter [tilespmem:s12], [sflag:$0x1], $0x40, $0x38;
	[tilespmem:$0xA00] =	vst v63  }
.Ltmp4:
0x122: {  	_ =	swait.ge [sflag:s10], $0x40;
	(pc) =	sbr.rel @p0 .LBB2_7-.Ltmp4, $3  }
0x123: {  	[sflag:s10] =	ssyncset.done $0x0  }
0x124: {  	[sflag:s10] =	ssyncadd.s32 $0xFFFFFFC0  }
0x125: {  	[bflag:$0x0] =	sbarrier.arrive $0xFFFF;
	_ =	sdelay $0x1  }
0x126: {  	[tilespmem:s12], [sflag:$0x1] =	stream.linear.gather [spmem:s6], $0x40, $0x38;
	[tilespmem:$0xA00] =	vst v63  }
0x127: {  	_ =	swait.ge [sflag:s10], $0x40  }
0x128: {  	[sflag:s10] =	ssyncset.done $0x0  }
0x129: {  	[sflag:s10] =	ssyncadd.s32 $0xFFFFFFC0  }
0x12a: {  	[tilespmem:s13], [sflag:$0x1] =	stream.linear.gather [spmem:s7], $0x40, $0x38;
	[tilespmem:$0xA00] =	vst v63  }
0x12b: {  	_ =	swait.ge [sflag:s10], $0x40  }
0x12c: {  	[sflag:s10] =	ssyncset.done $0x0  }
0x12d: {  	[sflag:s10] =	ssyncadd.s32 $0xFFFFFFC0  }
0x12e: {  	v27 =	vld [tilespmem:$0x8B0]  }
0x12f: {  	v28 =	vld [tilespmem:$0x930]  }
0x130: {  	v32 =	vld [tilespmem:$0x8A0]  }
0x131: {  	v33 =	vld [tilespmem:$0x920]  }
0x132: {  	v34 =	vld [tilespmem:$0x890]  }
0x133: {  	v31 =	vmul.u32 $0xFFFFFFFF, v1;
	v35 =	vld [tilespmem:$0x910]  }
0x134: {  	v36 =	vld [tilespmem:$0x880]  }
0x135: {  	v31 =	vadd.s32 $0xF, v31;
	v37 =	vld [tilespmem:$0x900]  }
0x136: {  	v27 =	vperm.xlane v27, v31;
	v28 =	vperm.xlane v28, v31  }
0x137: {  	v32 =	vperm.xlane v32, v31;
	v33 =	vperm.xlane v33, v31  }
0x138: {  	v47 =	vperm.xlane v34, v31;
	v48 =	vperm.xlane v35, v31  }
0x139: {  	v49 =	vperm.xlane v36, v31;
	vm5 =	veq.f32 v30, v27;
	vm6 =	vlt.s32 v29, v28  }
0x13a: {  	v31 =	vperm.xlane v37, v31;
	vm7 =	vgt.f32 v30, v27;
	vm5 =	vmand vm5, vm6  }
0x13b: {  	vm8 =	vlt.s32 v22, v48;
	vm6 =	vlt.s32 v21, v33;
	vm5 =	vmor vm7, vm5  }
0x13c: {  	v27 =	vsel vm5, v30, v27;
	v28 =	vsel vm5, v29, v28;
	vm5 =	veq.f32 v26, v32  }
0x13d: {  	vm7 =	vgt.f32 v26, v32;
	vm5 =	vmand vm5, vm6;
	vm6 =	veq.f32 v25, v47  }
0x13e: {  	vm5 =	vmor vm7, vm5;
	vm7 =	vgt.f32 v25, v47;
	vm6 =	vmand vm6, vm8  }
0x13f: {  	vm13 =	vlt.s32 v24, v31;
	vm14 =	vgt.f32 v23, v49;
	vm6 =	vmor vm7, vm6  }
0x140: {  	vm7 =	veq.f32 v23, v49;
	v50 =	vsel vm5, v26, v32;
	v21 =	vsel vm5, v21, v33  }
0x141: {  	vm7 =	vmand vm7, vm13;
	v51 =	vsel vm6, v25, v47;
	v22 =	vsel vm6, v22, v48  }
0x142: {  	vm5 =	vmor vm14, vm7;
	vm6 =	veq.f32 v27, v51;
	vm7 =	vlt.s32 v28, v22  }
0x143: {  	v23 =	vsel vm5, v23, v49;
	v52 =	vsel vm5, v24, v31;
	vm5 =	vgt.f32 v27, v51  }
0x144: {  	vm6 =	vmand vm6, vm7;
	vm7 =	veq.f32 v50, v23;
	vm15 =	vlt.s32 v21, v52  }
0x145: {  	vm5 =	vmor vm5, vm6;
	vm6 =	vgt.f32 v50, v23;
	vm7 =	vmand vm7, vm15  }
0x146: {  	v29 =	vsel vm5, v27, v51;
	v30 =	vsel vm5, v28, v22;
	vm6 =	vmor vm6, vm7  }
0x147: {  	v25 =	vsel vm5, v51, v27;
	v53 =	vsel vm6, v50, v23;
	v54 =	vsel vm6, v21, v52  }
0x148: {  	v22 =	vsel vm5, v22, v28;
	vm7 =	veq.f32 v29, v53;
	vm12 =	vlt.s32 v30, v54  }
0x149: {  	v23 =	vsel vm6, v23, v50;
	vm13 =	vgt.f32 v29, v53;
	vm7 =	vmand vm7, vm12  }
0x14a: {  	v21 =	vsel vm6, v52, v21;
	vm6 =	veq.f32 v25, v23;
	vm5 =	vmor vm13, vm7  }
0x14b: {  	vm14 =	vgt.f32 v25, v23;
	vm7 =	vlt.s32 v22, v21;
	v55 =	vsel vm5, v29, v53  }
0x14c: {  	v56 =	vsel vm5, v30, v54;
	vm6 =	vmand vm6, vm7;
	v58 =	vsel vm5, v53, v29  }
0x14d: {  	v30 =	vsel vm5, v54, v30;
	v57 =	vperm.xlane v55, v3;
	v59 =	vperm.xlane v56, v3  }
0x14e: {  	vm6 =	vmor vm14, vm6;
	v61 =	vperm.xlane v58, v3;
	v62 =	vperm.xlane v30, v3  }
0x14f: {  	v60 =	vsel vm6, v25, v23;
	v63 =	vsel vm6, v22, v21;
	v23 =	vsel vm6, v23, v25  }
0x150: {  	v21 =	vsel vm6, v21, v22;
	vm5 =	veq.f32 v55, v57;
	vm7 =	vlt.s32 v56, v59  }
0x151: {  	vm15 =	vgt.f32 v55, v57;
	vm12 =	vlt.s32 v30, v62;
	v22 =	vperm.xlane v60, v3  }
0x152: {  	vm13 =	vgt.f32 v58, v61;
	v36 =	vperm.xlane v63, v3;
	v38 =	vperm.xlane v23, v3  }
0x153: {  	v39 =	vperm.xlane v21, v3;
	vm5 =	vmand vm5, vm7;
	vm7 =	veq.f32 v58, v61  }
0x154: {  	vm5 =	vmor vm15, vm5;
	vm7 =	vmand vm7, vm12;
	vm14 =	vgt.f32 v60, v22  }
0x155: {  	vm15 =	vgt.f32 v23, v38;
	vm5 =	vmxor vm5, vm3;
	vm6 =	vmor vm13, vm7  }
0x156: {  	vm7 =	vlt.s32 v63, v36;
	vm6 =	vmxor vm6, vm3;
	v24 =	vsel vm5, v55, v57  }
0x157: {  	v26 =	vsel vm5, v56, v59;
	vm5 =	veq.f32 v60, v22;
	v37 =	vsel vm6, v58, v61  }
0x158: {  	vm5 =	vmand vm5, vm7;
	v30 =	vsel vm6, v30, v62;
	vm6 =	veq.f32 v23, v38  }
0x159: {  	vm7 =	vlt.s32 v21, v39;
	v40 =	vperm.xlane v24, v4;
	v41 =	vperm.xlane v26, v4  }
0x15a: {  	vm5 =	vmor vm14, vm5;
	vm6 =	vmand vm6, vm7;
	v42 =	vperm.xlane v37, v4  }
0x15b: {  	vm5 =	vmxor vm5, vm3;
	vm6 =	vmor vm15, vm6;
	vm7 =	veq.f32 v24, v40  }
0x15c: {  	vm12 =	vlt.s32 v26, v41;
	vm13 =	vgt.f32 v24, v40;
	v22 =	vsel vm5, v60, v22  }
0x15d: {  	vm7 =	vmand vm7, vm12;
	v25 =	vsel vm5, v63, v36;
	vm5 =	vmxor vm6, vm3  }
0x15e: {  	v43 =	vperm.xlane v30, v4;
	vm6 =	vmor vm13, vm7;
	v23 =	vsel vm5, v23, v38  }
0x15f: {  	v21 =	vsel vm5, v21, v39;
	v31 =	vperm.xlane v22, v4;
	v44 =	vperm.xlane v25, v4  }
0x160: {  	vm7 =	vlt.s32 v30, v43;
	vm5 =	vmxor vm6, vm1;
	vm6 =	veq.f32 v37, v42  }
0x161: {  	v45 =	vperm.xlane v23, v4;
	v46 =	vperm.xlane v21, v4;
	v24 =	vsel vm5, v24, v40  }
0x162: {  	v26 =	vsel vm5, v26, v41;
	vm5 =	vgt.f32 v37, v42;
	vm6 =	vmand vm6, vm7  }
0x163: {  	vm7 =	veq.f32 v22, v31;
	vm14 =	vlt.s32 v25, v44;
	vm5 =	vmor vm5, vm6  }
0x164: {  	vm6 =	vgt.f32 v22, v31;
	vm7 =	vmand vm7, vm14;
	v47 =	vperm.xlane v24, v5  }
0x165: {  	v48 =	vperm.xlane v26, v5;
	vm5 =	vmxor vm5, vm1;
	vm6 =	vmor vm6, vm7  }
0x166: {  	vm7 =	vlt.s32 v21, v46;
	v27 =	vsel vm5, v37, v42;
	vm6 =	vmxor vm6, vm1  }
0x167: {  	v29 =	vsel vm5, v30, v43;
	vm5 =	veq.f32 v23, v45;
	vm15 =	vgt.f32 v24, v47  }
0x168: {  	v22 =	vsel vm6, v22, v31;
	v25 =	vsel vm6, v25, v44;
	vm6 =	vgt.f32 v23, v45  }
0x169: {  	vm5 =	vmand vm5, vm7;
	vm7 =	vlt.s32 v26, v48;
	v49 =	vperm.xlane v27, v5  }
0x16a: {  	v50 =	vperm.xlane v29, v5;
	vm5 =	vmor vm6, vm5;
	vm6 =	veq.f32 v24, v47  }
0x16b: {  	v51 =	vperm.xlane v22, v5;
	v52 =	vperm.xlane v25, v5;
	vm5 =	vmxor vm5, vm1  }
0x16c: {  	vm6 =	vmand vm6, vm7;
	vm7 =	veq.f32 v27, v49;
	vm12 =	vlt.s32 v29, v50  }
0x16d: {  	vm6 =	vmor vm15, vm6;
	v23 =	vsel vm5, v23, v45;
	v21 =	vsel vm5, v21, v46  }
0x16e: {  	vm7 =	vmand vm7, vm12;
	vm13 =	vgt.f32 v22, v51;
	vm5 =	vmxor vm6, vm2  }
0x16f: {  	vm6 =	vgt.f32 v27, v49;
	v53 =	vperm.xlane v23, v5;
	v54 =	vperm.xlane v21, v5  }
0x170: {  	v24 =	vsel vm5, v24, v47;
	v26 =	vsel vm5, v26, v48;
	vm5 =	vmor vm6, vm7  }
0x171: {  	vm6 =	veq.f32 v22, v51;
	vm7 =	vlt.s32 v25, v52;
	vm5 =	vmxor vm5, vm2  }
0x172: {  	vm6 =	vmand vm6, vm7;
	vm7 =	vlt.s32 v21, v54;
	v55 =	vperm.xlane v24, v6  }
0x173: {  	v56 =	vperm.xlane v26, v6;
	vm14 =	vgt.f32 v23, v53;
	vm6 =	vmor vm13, vm6  }
0x174: {  	v27 =	vsel vm5, v27, v49;
	v29 =	vsel vm5, v29, v50;
	vm5 =	vmxor vm6, vm2  }
0x175: {  	vm6 =	veq.f32 v23, v53;
	vm15 =	vlt.s32 v26, v56;
	vm12 =	vgt.f32 v24, v55  }
0x176: {  	v58 =	vperm.xlane v27, v6;
	v59 =	vperm.xlane v29, v6;
	v22 =	vsel vm5, v22, v51  }
0x177: {  	vm6 =	vmand vm6, vm7;
	vm7 =	veq.f32 v24, v55;
	v57 =	vsel vm5, v25, v52  }
0x178: {  	vm6 =	vmor vm14, vm6;
	vm7 =	vmand vm7, vm15;
	v60 =	vperm.xlane v22, v6  }
0x179: {  	v61 =	vperm.xlane v57, v6;
	vm6 =	vmxor vm6, vm2;
	vm5 =	vmor vm12, vm7  }
0x17a: {  	vm7 =	vgt.f32 v27, v58;
	v23 =	vsel vm6, v23, v53;
	vm5 =	vmxor vm5, vm4  }
0x17b: {  	v21 =	vsel vm6, v21, v54;
	vm6 =	vlt.s32 v29, v59;
	vm13 =	vlt.s32 v57, v61  }
0x17c: {  	v26 =	vsel vm5, v26, v56;
	vm5 =	veq.f32 v27, v58;
	v62 =	vperm.xlane v23, v6  }
0x17d: {  	v63 =	vperm.xlane v21, v6;
	vm5 =	vmand vm5, vm6;
	vm6 =	veq.f32 v22, v60  }
0x17e: {  	vm5 =	vmor vm7, vm5;
	vm7 =	vgt.f32 v22, v60;
	vm6 =	vmand vm6, vm13  }
0x17f: {  	vm14 =	vlt.s32 v21, v63;
	vm6 =	vmor vm7, vm6;
	vm7 =	veq.f32 v23, v62  }
0x180: {  	vm15 =	vgt.f32 v23, v62;
	vm5 =	vmxor vm5, vm4;
	vm7 =	vmand vm7, vm14  }
0x181: {  	[tilespmem:$0x800] =	vst v26;
	v22 =	vsel vm5, v29, v59;
	vm5 =	vmxor vm6, vm4;
	vm6 =	vmor vm15, vm7  }
0x182: {  	v23 =	vsel vm5, v57, v61;
	[tilespmem:$0x810] =	vst v22;
	vm5 =	vmxor vm6, vm4  }
0x183: {  	[tilespmem:$0x820] =	vst v23;
	v21 =	vsel vm5, v21, v63  }
.Ltmp5:
0x184: {  	[tilespmem:$0x830] =	vst v21;
	(pc) =	sbr.rel .LBB2_7-.Ltmp5, $4  }
0x185: {  	[hbm4b:s8+s2] =	stream.linear.scatter [tilespmem:s11], [sflag:$0x1], $0x40, $0x38;
	[tilespmem:$0xA00] =	vst v63  }
0x186: {  	_ =	swait.ge [sflag:s10], $0x40  }
0x187: {  	[sflag:s10] =	ssyncset.done $0x0  }
0x188: {  	[sflag:s10] =	ssyncadd.s32 $0xFFFFFFC0  }
.LBB2_8:
0x189: {  	_ =	sfence.sel $0x180000  }
0x18a: {  	[bflag:$0x0] =	sbarrier.arrive $0xFFFF  }
0x18b: {  	p0 =	sne.s32 s0, $0x0;
	_ =	strace $0x90000047  }
0x18c: {  	s0 =	sadd.s32 @!p0 $0x100000, s1;
	[bflag:$0x2] =	sbarrier.arrive $0xFFFF  }
0x18d: {  	[sflag:s0] =	ssyncadd.tile.s32 @!p0 $0x1;
	_ =	shalt  }
.Lfunc_end2:
_tile_overlayer_lowered:
.L_overlay_start_2:
0x18e: {  	(tag) =	ssettag $0x2  }
0x18f: {  	s0 =	rddreg [dreg:$0x0];
	s2 =	stileid.u32  }
0x190: {  	s1 =	rddreg [dreg:$0x1];
	p0 =	sne.s32 s2, $0x0  }
0x191: {  	s3 =	rddreg [dreg:$0x2];
	[bflag:$0x3] =	sbarrier.arrive $0xFFFF;
	s2 =	simm.s32 @!p0 $0x1C01  }
0x192: {  	[timem:s3], [sflag:s2] =	dma.local @!p0 [hbm:s0], s1  }
0x193: {  	s0 =	simm.s32 @!p0 $0x1  }
0x194: {  	_ =	swait.ge @!p0 [sflag:s0], s1  }
0x195: {  	s1 =	ssub.s32 @!p0 $0x0, s1;
	[sflag:s0] =	ssyncset.done @!p0 $0x0  }
0x196: {  	[sflag:s0] =	ssyncadd.s32 @!p0 s1  }
0x197: {  	[bflag:$0x3] =	sbarrier.arrive $0xFFFF  }
0x198: {  	_ =	shalt  }

</sc_bundles>
